<compile_context>
chip_gen: v7x
topology: tpu7x:2x2x1
jax: 0.10.2.dev20260603
libtpu: 0.0.44.dev20260713+nightly
codegen_flags: <defaults>
</compile_context>

<pallas_src>
import functools

import jax
import jax.numpy as jnp
from jax import lax
from jax.experimental import pallas as pl
from jax.experimental.pallas import tpu as pltpu
from jax.experimental.pallas import tpu_sc as plsc

N_TOK = 100000
D = 128
B = 4096
L = 50
LANES = 16
NC = 2
NS = 16
NW = NC * NS
CHUNKS = B // LANES

_HALF = N_TOK // 2
_ROWS_BLK = 10000
_N_BLKS = _HALF // _ROWS_BLK



def _matvec_body(emb_lo_ref, emb_hi_ref, w_ref, out_ref):
    def row(emb_ref):
        return jax.lax.dot_general(
            w_ref[...], emb_ref[...],
            dimension_numbers=(((1,), (1,)), ((), ())),
            preferred_element_type=jnp.float32)

    def to_u32(v32):
        v16 = jax.lax.convert_element_type(v32, jnp.bfloat16)
        u16 = jax.lax.bitcast_convert_type(v16, jnp.uint16)
        return jax.lax.convert_element_type(u16, jnp.uint32)

    word = to_u32(row(emb_lo_ref)) | (to_u32(row(emb_hi_ref)) << 16)
    out_ref[...] = jax.lax.bitcast_convert_type(word, jnp.int32)[None]


def _matvec(emb, w):
    return pl.pallas_call(
        _matvec_body,
        grid=(_N_BLKS,),
        in_specs=[
            pl.BlockSpec((_ROWS_BLK, D), lambda i: (i, 0)),
            pl.BlockSpec((_ROWS_BLK, D), lambda i: (i + _N_BLKS, 0)),
            pl.BlockSpec((1, D), lambda i: (0, 0)),
        ],
        out_specs=pl.BlockSpec((1, 1, _ROWS_BLK), lambda i: (i, 0, 0)),
        out_shape=jax.ShapeDtypeStruct((_N_BLKS, 1, _ROWS_BLK), jnp.int32),
    )(emb, emb, w)



def _make_sc_kernel():
    mesh = plsc.VectorSubcoreMesh(core_axis_name="c", subcore_axis_name="s")

    @functools.partial(
        pl.kernel,
        out_type=jax.ShapeDtypeStruct((L, LANES), jnp.float32),
        mesh=mesh,
        compiler_params=pltpu.CompilerParams(needs_layout_passes=False),
        scratch_types=[
            pltpu.VMEM((_HALF,), jnp.int32),
            pltpu.VMEM((B,), jnp.int32),
            pltpu.VMEM((B,), jnp.float32),
            pltpu.VMEM((B,), jnp.int32),
            pltpu.VMEM((B,), jnp.float32),
            pltpu.VMEM((LANES,), jnp.float32),
            pltpu.VMEM((LANES,), jnp.float32),
            pltpu.SemaphoreType.DMA,
            pltpu.SemaphoreType.DMA,
        ],
    )
    def sc_fn(xt_hbm, st_hbm, t_hbm, b_hbm, out_hbm,
              t_v, x0_v, s0_v, x1_v, s1_v, b_v, o_v, sem0, sem1):
        wid = lax.axis_index("s") * NC + lax.axis_index("c")
        l1 = wid + NW
        has_slot1 = l1 < L

        group0 = [
            pltpu.async_copy(t_hbm.at[i, 0],
                             t_v.at[pl.ds(i * _ROWS_BLK, _ROWS_BLK)], sem0)
            for i in range(_N_BLKS)
        ]
        group0.append(pltpu.async_copy(b_hbm, b_v, sem0))
        group0.append(pltpu.async_copy(xt_hbm.at[wid], x0_v, sem0))
        group0.append(pltpu.async_copy(st_hbm.at[wid], s0_v, sem0))

        @pl.when(has_slot1)
        def _():
            pltpu.async_copy(xt_hbm.at[l1], x1_v, sem1)
            pltpu.async_copy(st_hbm.at[l1], s1_v, sem1)

        for c in group0:
            c.wait()
        bias = b_v[...][0]

        def do_position(l, x_v, s_v):
            unroll = 4

            def chunk(c, acc):
                for u in range(unroll):
                    sl = pl.ds((c * unroll + u) * LANES, LANES)
                    xi = x_v[sl]
                    hi = xi >= _HALF
                    wrd = plsc.load_gather(t_v, [jnp.where(hi, xi - _HALF, xi)])
                    bits = jnp.where(hi, wrd & jnp.int32(-65536), wrd << 16)
                    tv = plsc.bitcast(bits, jnp.float32)
                    acc = acc + tv * s_v[sl]
                return acc

            acc = lax.fori_loop(0, CHUNKS // unroll, chunk,
                                jnp.zeros((LANES,), jnp.float32))
            z = jnp.sum(acc) * (1.0 / B) + bias
            zv = jnp.full((LANES,), z, jnp.float32)
            o_v[...] = 1.0 / (1.0 + jnp.exp(-zv))
            pltpu.sync_copy(o_v, out_hbm.at[l])

        do_position(wid, x0_v, s0_v)

        @pl.when(has_slot1)
        def _():
            pltpu.make_async_copy(xt_hbm.at[l1], x1_v, sem1).wait()
            pltpu.make_async_copy(st_hbm.at[l1], s1_v, sem1).wait()
            do_position(l1, x1_v, s1_v)

    return sc_fn


_sc_fn = _make_sc_kernel()


def kernel(x, score, emb_table, W, b):
    t = _matvec(emb_table, W.astype(jnp.float32))
    xt = x.astype(jnp.int32).T
    st = score[..., 0].astype(jnp.float32).T
    b16 = jnp.broadcast_to(b.astype(jnp.float32), (LANES,))
    out_rows = _sc_fn(xt, st, t, b16)
    return out_rows[:, :1]

# --- scband reference (transcript-rebuilt; emitter-appended) ---
"""Pipeline reference for scband-logistic-regression-31413390802998 (READ-ONLY COPY).

The authoritative reference and input builder live on the scoring server;
editing this copy changes nothing except your own understanding.
"""

import jax, jax.numpy as jnp
import numpy as np

N_TOKENS = 100000
EMBEDDING_DIM = 128
OUT_DIM = 1
BATCH = 4096
HIST = 50

def setup_inputs(seed: int = 0) -> dict:
    key = jax.random.key(seed)
    k1, k2, k3, k4, k5 = jax.random.split(key, 5)
    x = jax.random.randint(k1, (BATCH, HIST), 0, N_TOKENS, dtype=jnp.int64 if jax.config.jax_enable_x64 else jnp.int32)
    score = jax.random.uniform(k2, (BATCH, HIST, 1), dtype=jnp.float32)
    emb_table = jax.random.normal(k3, (N_TOKENS, EMBEDDING_DIM), dtype=jnp.float32) * 0.02
    W = jax.random.normal(k4, (OUT_DIM, EMBEDDING_DIM), dtype=jnp.float32) * (1.0 / np.sqrt(EMBEDDING_DIM))
    b = jax.random.normal(k5, (OUT_DIM,), dtype=jnp.float32) * 0.01
    return {"x": x, "score": score, "emb_table": emb_table, "W": W, "b": b}

def reference(x, score, emb_table, W, b):
    # embeddings = self.embedding(x) * score  -> gather + elementwise scale
    embeddings = jnp.take(emb_table, x, axis=0) * score  # [B, L, D]
    # out = self.linear(torch.mean(embeddings, 0))  -> mean over dim 0
    pooled = jnp.mean(embeddings, axis=0)  # [L, D]
    out = pooled @ W.T + b  # [L, 1]
    # dropout treated as identity (eval semantics for determinism)
    return jax.nn.sigmoid(out)

if __name__ == "__main__":
    import jax
    _d = setup_inputs()
    print(jax.jit(kernel)(*tuple(_d.values())))

</pallas_src>

<mosaic_0001>
#map = affine_map<(d0, d1) -> (0, 0)>
#map1 = affine_map<(d0, d1) -> (0, 0, 0)>
#map2 = affine_map<(d0, d1) -> (0)>
module attributes {stable_mosaic.version = 14 : i64} {
  func.func @sc_fn(%arg0: i32, %arg1: i32, %arg2: memref<50x4096xi32, #tpu.memory_space<hbm>>, %arg3: memref<50x4096xf32, #tpu.memory_space<hbm>>, %arg4: memref<5x1x10000xi32, #tpu.memory_space<hbm>>, %arg5: memref<16xf32, #tpu.memory_space<hbm>>, %arg6: memref<50x16xf32, #tpu.memory_space<hbm>>, %arg7: memref<50000xi32, #tpu.memory_space<vmem>>, %arg8: memref<4096xi32, #tpu.memory_space<vmem>>, %arg9: memref<4096xf32, #tpu.memory_space<vmem>>, %arg10: memref<4096xi32, #tpu.memory_space<vmem>>, %arg11: memref<4096xf32, #tpu.memory_space<vmem>>, %arg12: memref<16xf32, #tpu.memory_space<vmem>>, %arg13: memref<16xf32, #tpu.memory_space<vmem>>, %arg14: memref<!tpu.dma_semaphore, #tpu.memory_space<semaphore_mem>>, %arg15: memref<!tpu.dma_semaphore, #tpu.memory_space<semaphore_mem>>) attributes {dimension_semantics = [#tpu.dimension_semantics<core_parallel>, #tpu.dimension_semantics<subcore_parallel>], iteration_bounds = array<i64: 2, 16>, scalar_prefetch = 0 : i64, scratch_operands = 9 : i64, tpu.core_type = #tpu.core_type<sc_vector_subcore>, window_params = [{transform_indices = #map}, {transform_indices = #map}, {transform_indices = #map1}, {transform_indices = #map2}, {transform_indices = #map}]} {
    %mul3A = arith.constant 2 : i32
    %mul3A_0 = arith.muli %arg1, %mul3A : i32
    %add3A = arith.addi %mul3A_0, %arg0 : i32
    %add3A_1 = arith.constant 32 : i32
    %add3A_2 = arith.addi %add3A, %add3A_1 : i32
    %lt3A = arith.constant 50 : i32
    %lt3A_3 = arith.cmpi slt, %add3A_2, %lt3A : i32
    %dma_start3A = arith.constant 0 : i32
    %dma_start3A_4 = arith.constant 0 : i32
    %dma_start3A_5 = arith.constant 0 : i32
    %dma_start3A_6 = tpu.memref_slice %arg7[%dma_start3A_5] : memref<50000xi32, #tpu.memory_space<vmem>> -> memref<10000xi32, #tpu.memory_space<vmem>>
    %dma_start3A_7 = arith.constant 0 : i32
    %dma_start3A_8 = tpu.memref_slice %arg4[%dma_start3A, %dma_start3A_4, %dma_start3A_7] : memref<5x1x10000xi32, #tpu.memory_space<hbm>> -> memref<1x1x10000xi32, #tpu.memory_space<hbm>>
    %dma_start3A_9 = tpu.memref_squeeze %dma_start3A_8 : memref<1x1x10000xi32, #tpu.memory_space<hbm>> -> memref<10000xi32, #tpu.memory_space<hbm>>
    %dma_start3A_10 = arith.constant 0 : i32
    %dma_start3A_11 = tpu.memref_slice %arg7[%dma_start3A_10] : memref<50000xi32, #tpu.memory_space<vmem>> -> memref<10000xi32, #tpu.memory_space<vmem>>
    %dma_start3A_12 = arith.constant 0 : i32
    %dma_start3A_13 = tpu.memref_slice %arg4[%dma_start3A, %dma_start3A_4, %dma_start3A_12] : memref<5x1x10000xi32, #tpu.memory_space<hbm>> -> memref<1x1x10000xi32, #tpu.memory_space<hbm>>
    %dma_start3A_14 = tpu.memref_squeeze %dma_start3A_13 : memref<1x1x10000xi32, #tpu.memory_space<hbm>> -> memref<10000xi32, #tpu.memory_space<hbm>>
    tpu.enqueue_dma source(%dma_start3A_14 : memref<10000xi32, #tpu.memory_space<hbm>>) target(%dma_start3A_11 : memref<10000xi32, #tpu.memory_space<vmem>>) target_semaphore(%arg14 : memref<!tpu.dma_semaphore, #tpu.memory_space<semaphore_mem>>)
    %dma_start3A_15 = arith.constant 1 : i32
    %dma_start3A_16 = arith.constant 0 : i32
    %dma_start3A_17 = arith.constant 10000 : i32
    %dma_start3A_18 = tpu.memref_slice %arg7[%dma_start3A_17] : memref<50000xi32, #tpu.memory_space<vmem>> -> memref<10000xi32, #tpu.memory_space<vmem>>
    %dma_start3A_19 = arith.constant 0 : i32
    %dma_start3A_20 = tpu.memref_slice %arg4[%dma_start3A_15, %dma_start3A_16, %dma_start3A_19] : memref<5x1x10000xi32, #tpu.memory_space<hbm>> -> memref<1x1x10000xi32, #tpu.memory_space<hbm>>
    %dma_start3A_21 = tpu.memref_squeeze %dma_start3A_20 : memref<1x1x10000xi32, #tpu.memory_space<hbm>> -> memref<10000xi32, #tpu.memory_space<hbm>>
    %dma_start3A_22 = arith.constant 10000 : i32
    %dma_start3A_23 = tpu.memref_slice %arg7[%dma_start3A_22] : memref<50000xi32, #tpu.memory_space<vmem>> -> memref<10000xi32, #tpu.memory_space<vmem>>
    %dma_start3A_24 = arith.constant 0 : i32
    %dma_start3A_25 = tpu.memref_slice %arg4[%dma_start3A_15, %dma_start3A_16, %dma_start3A_24] : memref<5x1x10000xi32, #tpu.memory_space<hbm>> -> memref<1x1x10000xi32, #tpu.memory_space<hbm>>
    %dma_start3A_26 = tpu.memref_squeeze %dma_start3A_25 : memref<1x1x10000xi32, #tpu.memory_space<hbm>> -> memref<10000xi32, #tpu.memory_space<hbm>>
    tpu.enqueue_dma source(%dma_start3A_26 : memref<10000xi32, #tpu.memory_space<hbm>>) target(%dma_start3A_23 : memref<10000xi32, #tpu.memory_space<vmem>>) target_semaphore(%arg14 : memref<!tpu.dma_semaphore, #tpu.memory_space<semaphore_mem>>)
    %dma_start3A_27 = arith.constant 2 : i32
    %dma_start3A_28 = arith.constant 0 : i32
    %dma_start3A_29 = arith.constant 20000 : i32
    %dma_start3A_30 = tpu.memref_slice %arg7[%dma_start3A_29] : memref<50000xi32, #tpu.memory_space<vmem>> -> memref<10000xi32, #tpu.memory_space<vmem>>
    %dma_start3A_31 = arith.constant 0 : i32
    %dma_start3A_32 = tpu.memref_slice %arg4[%dma_start3A_27, %dma_start3A_28, %dma_start3A_31] : memref<5x1x10000xi32, #tpu.memory_space<hbm>> -> memref<1x1x10000xi32, #tpu.memory_space<hbm>>
    %dma_start3A_33 = tpu.memref_squeeze %dma_start3A_32 : memref<1x1x10000xi32, #tpu.memory_space<hbm>> -> memref<10000xi32, #tpu.memory_space<hbm>>
    %dma_start3A_34 = arith.constant 20000 : i32
    %dma_start3A_35 = tpu.memref_slice %arg7[%dma_start3A_34] : memref<50000xi32, #tpu.memory_space<vmem>> -> memref<10000xi32, #tpu.memory_space<vmem>>
    %dma_start3A_36 = arith.constant 0 : i32
    %dma_start3A_37 = tpu.memref_slice %arg4[%dma_start3A_27, %dma_start3A_28, %dma_start3A_36] : memref<5x1x10000xi32, #tpu.memory_space<hbm>> -> memref<1x1x10000xi32, #tpu.memory_space<hbm>>
    %dma_start3A_38 = tpu.memref_squeeze %dma_start3A_37 : memref<1x1x10000xi32, #tpu.memory_space<hbm>> -> memref<10000xi32, #tpu.memory_space<hbm>>
    tpu.enqueue_dma source(%dma_start3A_38 : memref<10000xi32, #tpu.memory_space<hbm>>) target(%dma_start3A_35 : memref<10000xi32, #tpu.memory_space<vmem>>) target_semaphore(%arg14 : memref<!tpu.dma_semaphore, #tpu.memory_space<semaphore_mem>>)
    %dma_start3A_39 = arith.constant 3 : i32
    %dma_start3A_40 = arith.constant 0 : i32
    %dma_start3A_41 = arith.constant 30000 : i32
    %dma_start3A_42 = tpu.memref_slice %arg7[%dma_start3A_41] : memref<50000xi32, #tpu.memory_space<vmem>> -> memref<10000xi32, #tpu.memory_space<vmem>>
    %dma_start3A_43 = arith.constant 0 : i32
    %dma_start3A_44 = tpu.memref_slice %arg4[%dma_start3A_39, %dma_start3A_40, %dma_start3A_43] : memref<5x1x10000xi32, #tpu.memory_space<hbm>> -> memref<1x1x10000xi32, #tpu.memory_space<hbm>>
    %dma_start3A_45 = tpu.memref_squeeze %dma_start3A_44 : memref<1x1x10000xi32, #tpu.memory_space<hbm>> -> memref<10000xi32, #tpu.memory_space<hbm>>
    %dma_start3A_46 = arith.constant 30000 : i32
    %dma_start3A_47 = tpu.memref_slice %arg7[%dma_start3A_46] : memref<50000xi32, #tpu.memory_space<vmem>> -> memref<10000xi32, #tpu.memory_space<vmem>>
    %dma_start3A_48 = arith.constant 0 : i32
    %dma_start3A_49 = tpu.memref_slice %arg4[%dma_start3A_39, %dma_start3A_40, %dma_start3A_48] : memref<5x1x10000xi32, #tpu.memory_space<hbm>> -> memref<1x1x10000xi32, #tpu.memory_space<hbm>>
    %dma_start3A_50 = tpu.memref_squeeze %dma_start3A_49 : memref<1x1x10000xi32, #tpu.memory_space<hbm>> -> memref<10000xi32, #tpu.memory_space<hbm>>
    tpu.enqueue_dma source(%dma_start3A_50 : memref<10000xi32, #tpu.memory_space<hbm>>) target(%dma_start3A_47 : memref<10000xi32, #tpu.memory_space<vmem>>) target_semaphore(%arg14 : memref<!tpu.dma_semaphore, #tpu.memory_space<semaphore_mem>>)
    %dma_start3A_51 = arith.constant 4 : i32
    %dma_start3A_52 = arith.constant 0 : i32
    %dma_start3A_53 = arith.constant 40000 : i32
    %dma_start3A_54 = tpu.memref_slice %arg7[%dma_start3A_53] : memref<50000xi32, #tpu.memory_space<vmem>> -> memref<10000xi32, #tpu.memory_space<vmem>>
    %dma_start3A_55 = arith.constant 0 : i32
    %dma_start3A_56 = tpu.memref_slice %arg4[%dma_start3A_51, %dma_start3A_52, %dma_start3A_55] : memref<5x1x10000xi32, #tpu.memory_space<hbm>> -> memref<1x1x10000xi32, #tpu.memory_space<hbm>>
    %dma_start3A_57 = tpu.memref_squeeze %dma_start3A_56 : memref<1x1x10000xi32, #tpu.memory_space<hbm>> -> memref<10000xi32, #tpu.memory_space<hbm>>
    %dma_start3A_58 = arith.constant 40000 : i32
    %dma_start3A_59 = tpu.memref_slice %arg7[%dma_start3A_58] : memref<50000xi32, #tpu.memory_space<vmem>> -> memref<10000xi32, #tpu.memory_space<vmem>>
    %dma_start3A_60 = arith.constant 0 : i32
    %dma_start3A_61 = tpu.memref_slice %arg4[%dma_start3A_51, %dma_start3A_52, %dma_start3A_60] : memref<5x1x10000xi32, #tpu.memory_space<hbm>> -> memref<1x1x10000xi32, #tpu.memory_space<hbm>>
    %dma_start3A_62 = tpu.memref_squeeze %dma_start3A_61 : memref<1x1x10000xi32, #tpu.memory_space<hbm>> -> memref<10000xi32, #tpu.memory_space<hbm>>
    tpu.enqueue_dma source(%dma_start3A_62 : memref<10000xi32, #tpu.memory_space<hbm>>) target(%dma_start3A_59 : memref<10000xi32, #tpu.memory_space<vmem>>) target_semaphore(%arg14 : memref<!tpu.dma_semaphore, #tpu.memory_space<semaphore_mem>>)
    tpu.enqueue_dma source(%arg5 : memref<16xf32, #tpu.memory_space<hbm>>) target(%arg12 : memref<16xf32, #tpu.memory_space<vmem>>) target_semaphore(%arg14 : memref<!tpu.dma_semaphore, #tpu.memory_space<semaphore_mem>>)
    %dma_start3A_63 = arith.constant 0 : i32
    %dma_start3A_64 = tpu.memref_slice %arg2[%add3A, %dma_start3A_63] : memref<50x4096xi32, #tpu.memory_space<hbm>> -> memref<1x4096xi32, #tpu.memory_space<hbm>>
    %dma_start3A_65 = tpu.memref_squeeze %dma_start3A_64 : memref<1x4096xi32, #tpu.memory_space<hbm>> -> memref<4096xi32, #tpu.memory_space<hbm>>
    %dma_start3A_66 = arith.constant 0 : i32
    %dma_start3A_67 = tpu.memref_slice %arg2[%add3A, %dma_start3A_66] : memref<50x4096xi32, #tpu.memory_space<hbm>> -> memref<1x4096xi32, #tpu.memory_space<hbm>>
    %dma_start3A_68 = tpu.memref_squeeze %dma_start3A_67 : memref<1x4096xi32, #tpu.memory_space<hbm>> -> memref<4096xi32, #tpu.memory_space<hbm>>
    tpu.enqueue_dma source(%dma_start3A_68 : memref<4096xi32, #tpu.memory_space<hbm>>) target(%arg8 : memref<4096xi32, #tpu.memory_space<vmem>>) target_semaphore(%arg14 : memref<!tpu.dma_semaphore, #tpu.memory_space<semaphore_mem>>)
    %dma_start3A_69 = arith.constant 0 : i32
    %dma_start3A_70 = tpu.memref_slice %arg3[%add3A, %dma_start3A_69] : memref<50x4096xf32, #tpu.memory_space<hbm>> -> memref<1x4096xf32, #tpu.memory_space<hbm>>
    %dma_start3A_71 = tpu.memref_squeeze %dma_start3A_70 : memref<1x4096xf32, #tpu.memory_space<hbm>> -> memref<4096xf32, #tpu.memory_space<hbm>>
    %dma_start3A_72 = arith.constant 0 : i32
    %dma_start3A_73 = tpu.memref_slice %arg3[%add3A, %dma_start3A_72] : memref<50x4096xf32, #tpu.memory_space<hbm>> -> memref<1x4096xf32, #tpu.memory_space<hbm>>
    %dma_start3A_74 = tpu.memref_squeeze %dma_start3A_73 : memref<1x4096xf32, #tpu.memory_space<hbm>> -> memref<4096xf32, #tpu.memory_space<hbm>>
    tpu.enqueue_dma source(%dma_start3A_74 : memref<4096xf32, #tpu.memory_space<hbm>>) target(%arg9 : memref<4096xf32, #tpu.memory_space<vmem>>) target_semaphore(%arg14 : memref<!tpu.dma_semaphore, #tpu.memory_space<semaphore_mem>>)
    %convert_element_type3A = arith.extui %lt3A_3 : i1 to i32
    %cond3A = arith.constant 0 : i32
    %cond3A_75 = arith.cmpi ne, %convert_element_type3A, %cond3A : i32
    scf.if %cond3A_75 {
      %dma_start3A_172 = arith.constant 0 : i32
      %dma_start3A_173 = tpu.memref_slice %arg2[%add3A_2, %dma_start3A_172] : memref<50x4096xi32, #tpu.memory_space<hbm>> -> memref<1x4096xi32, #tpu.memory_space<hbm>>
      %dma_start3A_174 = tpu.memref_squeeze %dma_start3A_173 : memref<1x4096xi32, #tpu.memory_space<hbm>> -> memref<4096xi32, #tpu.memory_space<hbm>>
      %dma_start3A_175 = arith.constant 0 : i32
      %dma_start3A_176 = tpu.memref_slice %arg2[%add3A_2, %dma_start3A_175] : memref<50x4096xi32, #tpu.memory_space<hbm>> -> memref<1x4096xi32, #tpu.memory_space<hbm>>
      %dma_start3A_177 = tpu.memref_squeeze %dma_start3A_176 : memref<1x4096xi32, #tpu.memory_space<hbm>> -> memref<4096xi32, #tpu.memory_space<hbm>>
      tpu.enqueue_dma source(%dma_start3A_177 : memref<4096xi32, #tpu.memory_space<hbm>>) target(%arg10 : memref<4096xi32, #tpu.memory_space<vmem>>) target_semaphore(%arg15 : memref<!tpu.dma_semaphore, #tpu.memory_space<semaphore_mem>>)
      %dma_start3A_178 = arith.constant 0 : i32
      %dma_start3A_179 = tpu.memref_slice %arg3[%add3A_2, %dma_start3A_178] : memref<50x4096xf32, #tpu.memory_space<hbm>> -> memref<1x4096xf32, #tpu.memory_space<hbm>>
      %dma_start3A_180 = tpu.memref_squeeze %dma_start3A_179 : memref<1x4096xf32, #tpu.memory_space<hbm>> -> memref<4096xf32, #tpu.memory_space<hbm>>
      %dma_start3A_181 = arith.constant 0 : i32
      %dma_start3A_182 = tpu.memref_slice %arg3[%add3A_2, %dma_start3A_181] : memref<50x4096xf32, #tpu.memory_space<hbm>> -> memref<1x4096xf32, #tpu.memory_space<hbm>>
      %dma_start3A_183 = tpu.memref_squeeze %dma_start3A_182 : memref<1x4096xf32, #tpu.memory_space<hbm>> -> memref<4096xf32, #tpu.memory_space<hbm>>
      tpu.enqueue_dma source(%dma_start3A_183 : memref<4096xf32, #tpu.memory_space<hbm>>) target(%arg11 : memref<4096xf32, #tpu.memory_space<vmem>>) target_semaphore(%arg15 : memref<!tpu.dma_semaphore, #tpu.memory_space<semaphore_mem>>)
    } else {
    }
    %dma_wait3A = arith.constant 0 : i32
    %dma_wait3A_76 = arith.constant 0 : i32
    %dma_wait3A_77 = arith.constant 0 : i32
    %dma_wait3A_78 = tpu.memref_slice %arg7[%dma_wait3A_77] : memref<50000xi32, #tpu.memory_space<vmem>> -> memref<10000xi32, #tpu.memory_space<vmem>>
    %dma_wait3A_79 = arith.constant 0 : i32
    %dma_wait3A_80 = tpu.memref_slice %arg4[%dma_wait3A, %dma_wait3A_76, %dma_wait3A_79] : memref<5x1x10000xi32, #tpu.memory_space<hbm>> -> memref<1x1x10000xi32, #tpu.memory_space<hbm>>
    %dma_wait3A_81 = tpu.memref_squeeze %dma_wait3A_80 : memref<1x1x10000xi32, #tpu.memory_space<hbm>> -> memref<10000xi32, #tpu.memory_space<hbm>>
    %dma_wait3A_82 = arith.constant 0 : i32
    %dma_wait3A_83 = tpu.memref_slice %arg7[%dma_wait3A_82] : memref<50000xi32, #tpu.memory_space<vmem>> -> memref<10000xi32, #tpu.memory_space<vmem>>
    %dma_wait3A_84 = arith.constant 0 : i32
    %dma_wait3A_85 = tpu.memref_slice %arg4[%dma_wait3A, %dma_wait3A_76, %dma_wait3A_84] : memref<5x1x10000xi32, #tpu.memory_space<hbm>> -> memref<1x1x10000xi32, #tpu.memory_space<hbm>>
    %dma_wait3A_86 = tpu.memref_squeeze %dma_wait3A_85 : memref<1x1x10000xi32, #tpu.memory_space<hbm>> -> memref<10000xi32, #tpu.memory_space<hbm>>
    tpu.wait_dma2 semaphore(%arg14 : memref<!tpu.dma_semaphore, #tpu.memory_space<semaphore_mem>>) src(%dma_wait3A_86 : memref<10000xi32, #tpu.memory_space<hbm>>) dst(%dma_wait3A_83 : memref<10000xi32, #tpu.memory_space<vmem>>)
    %dma_wait3A_87 = arith.constant 1 : i32
    %dma_wait3A_88 = arith.constant 0 : i32
    %dma_wait3A_89 = arith.constant 10000 : i32
    %dma_wait3A_90 = tpu.memref_slice %arg7[%dma_wait3A_89] : memref<50000xi32, #tpu.memory_space<vmem>> -> memref<10000xi32, #tpu.memory_space<vmem>>
    %dma_wait3A_91 = arith.constant 0 : i32
    %dma_wait3A_92 = tpu.memref_slice %arg4[%dma_wait3A_87, %dma_wait3A_88, %dma_wait3A_91] : memref<5x1x10000xi32, #tpu.memory_space<hbm>> -> memref<1x1x10000xi32, #tpu.memory_space<hbm>>
    %dma_wait3A_93 = tpu.memref_squeeze %dma_wait3A_92 : memref<1x1x10000xi32, #tpu.memory_space<hbm>> -> memref<10000xi32, #tpu.memory_space<hbm>>
    %dma_wait3A_94 = arith.constant 10000 : i32
    %dma_wait3A_95 = tpu.memref_slice %arg7[%dma_wait3A_94] : memref<50000xi32, #tpu.memory_space<vmem>> -> memref<10000xi32, #tpu.memory_space<vmem>>
    %dma_wait3A_96 = arith.constant 0 : i32
    %dma_wait3A_97 = tpu.memref_slice %arg4[%dma_wait3A_87, %dma_wait3A_88, %dma_wait3A_96] : memref<5x1x10000xi32, #tpu.memory_space<hbm>> -> memref<1x1x10000xi32, #tpu.memory_space<hbm>>
    %dma_wait3A_98 = tpu.memref_squeeze %dma_wait3A_97 : memref<1x1x10000xi32, #tpu.memory_space<hbm>> -> memref<10000xi32, #tpu.memory_space<hbm>>
    tpu.wait_dma2 semaphore(%arg14 : memref<!tpu.dma_semaphore, #tpu.memory_space<semaphore_mem>>) src(%dma_wait3A_98 : memref<10000xi32, #tpu.memory_space<hbm>>) dst(%dma_wait3A_95 : memref<10000xi32, #tpu.memory_space<vmem>>)
    %dma_wait3A_99 = arith.constant 2 : i32
    %dma_wait3A_100 = arith.constant 0 : i32
    %dma_wait3A_101 = arith.constant 20000 : i32
    %dma_wait3A_102 = tpu.memref_slice %arg7[%dma_wait3A_101] : memref<50000xi32, #tpu.memory_space<vmem>> -> memref<10000xi32, #tpu.memory_space<vmem>>
    %dma_wait3A_103 = arith.constant 0 : i32
    %dma_wait3A_104 = tpu.memref_slice %arg4[%dma_wait3A_99, %dma_wait3A_100, %dma_wait3A_103] : memref<5x1x10000xi32, #tpu.memory_space<hbm>> -> memref<1x1x10000xi32, #tpu.memory_space<hbm>>
    %dma_wait3A_105 = tpu.memref_squeeze %dma_wait3A_104 : memref<1x1x10000xi32, #tpu.memory_space<hbm>> -> memref<10000xi32, #tpu.memory_space<hbm>>
    %dma_wait3A_106 = arith.constant 20000 : i32
    %dma_wait3A_107 = tpu.memref_slice %arg7[%dma_wait3A_106] : memref<50000xi32, #tpu.memory_space<vmem>> -> memref<10000xi32, #tpu.memory_space<vmem>>
    %dma_wait3A_108 = arith.constant 0 : i32
    %dma_wait3A_109 = tpu.memref_slice %arg4[%dma_wait3A_99, %dma_wait3A_100, %dma_wait3A_108] : memref<5x1x10000xi32, #tpu.memory_space<hbm>> -> memref<1x1x10000xi32, #tpu.memory_space<hbm>>
    %dma_wait3A_110 = tpu.memref_squeeze %dma_wait3A_109 : memref<1x1x10000xi32, #tpu.memory_space<hbm>> -> memref<10000xi32, #tpu.memory_space<hbm>>
    tpu.wait_dma2 semaphore(%arg14 : memref<!tpu.dma_semaphore, #tpu.memory_space<semaphore_mem>>) src(%dma_wait3A_110 : memref<10000xi32, #tpu.memory_space<hbm>>) dst(%dma_wait3A_107 : memref<10000xi32, #tpu.memory_space<vmem>>)
    %dma_wait3A_111 = arith.constant 3 : i32
    %dma_wait3A_112 = arith.constant 0 : i32
    %dma_wait3A_113 = arith.constant 30000 : i32
    %dma_wait3A_114 = tpu.memref_slice %arg7[%dma_wait3A_113] : memref<50000xi32, #tpu.memory_space<vmem>> -> memref<10000xi32, #tpu.memory_space<vmem>>
    %dma_wait3A_115 = arith.constant 0 : i32
    %dma_wait3A_116 = tpu.memref_slice %arg4[%dma_wait3A_111, %dma_wait3A_112, %dma_wait3A_115] : memref<5x1x10000xi32, #tpu.memory_space<hbm>> -> memref<1x1x10000xi32, #tpu.memory_space<hbm>>
    %dma_wait3A_117 = tpu.memref_squeeze %dma_wait3A_116 : memref<1x1x10000xi32, #tpu.memory_space<hbm>> -> memref<10000xi32, #tpu.memory_space<hbm>>
    %dma_wait3A_118 = arith.constant 30000 : i32
    %dma_wait3A_119 = tpu.memref_slice %arg7[%dma_wait3A_118] : memref<50000xi32, #tpu.memory_space<vmem>> -> memref<10000xi32, #tpu.memory_space<vmem>>
    %dma_wait3A_120 = arith.constant 0 : i32
    %dma_wait3A_121 = tpu.memref_slice %arg4[%dma_wait3A_111, %dma_wait3A_112, %dma_wait3A_120] : memref<5x1x10000xi32, #tpu.memory_space<hbm>> -> memref<1x1x10000xi32, #tpu.memory_space<hbm>>
    %dma_wait3A_122 = tpu.memref_squeeze %dma_wait3A_121 : memref<1x1x10000xi32, #tpu.memory_space<hbm>> -> memref<10000xi32, #tpu.memory_space<hbm>>
    tpu.wait_dma2 semaphore(%arg14 : memref<!tpu.dma_semaphore, #tpu.memory_space<semaphore_mem>>) src(%dma_wait3A_122 : memref<10000xi32, #tpu.memory_space<hbm>>) dst(%dma_wait3A_119 : memref<10000xi32, #tpu.memory_space<vmem>>)
    %dma_wait3A_123 = arith.constant 4 : i32
    %dma_wait3A_124 = arith.constant 0 : i32
    %dma_wait3A_125 = arith.constant 40000 : i32
    %dma_wait3A_126 = tpu.memref_slice %arg7[%dma_wait3A_125] : memref<50000xi32, #tpu.memory_space<vmem>> -> memref<10000xi32, #tpu.memory_space<vmem>>
    %dma_wait3A_127 = arith.constant 0 : i32
    %dma_wait3A_128 = tpu.memref_slice %arg4[%dma_wait3A_123, %dma_wait3A_124, %dma_wait3A_127] : memref<5x1x10000xi32, #tpu.memory_space<hbm>> -> memref<1x1x10000xi32, #tpu.memory_space<hbm>>
    %dma_wait3A_129 = tpu.memref_squeeze %dma_wait3A_128 : memref<1x1x10000xi32, #tpu.memory_space<hbm>> -> memref<10000xi32, #tpu.memory_space<hbm>>
    %dma_wait3A_130 = arith.constant 40000 : i32
    %dma_wait3A_131 = tpu.memref_slice %arg7[%dma_wait3A_130] : memref<50000xi32, #tpu.memory_space<vmem>> -> memref<10000xi32, #tpu.memory_space<vmem>>
    %dma_wait3A_132 = arith.constant 0 : i32
    %dma_wait3A_133 = tpu.memref_slice %arg4[%dma_wait3A_123, %dma_wait3A_124, %dma_wait3A_132] : memref<5x1x10000xi32, #tpu.memory_space<hbm>> -> memref<1x1x10000xi32, #tpu.memory_space<hbm>>
    %dma_wait3A_134 = tpu.memref_squeeze %dma_wait3A_133 : memref<1x1x10000xi32, #tpu.memory_space<hbm>> -> memref<10000xi32, #tpu.memory_space<hbm>>
    tpu.wait_dma2 semaphore(%arg14 : memref<!tpu.dma_semaphore, #tpu.memory_space<semaphore_mem>>) src(%dma_wait3A_134 : memref<10000xi32, #tpu.memory_space<hbm>>) dst(%dma_wait3A_131 : memref<10000xi32, #tpu.memory_space<vmem>>)
    tpu.wait_dma2 semaphore(%arg14 : memref<!tpu.dma_semaphore, #tpu.memory_space<semaphore_mem>>) src(%arg5 : memref<16xf32, #tpu.memory_space<hbm>>) dst(%arg12 : memref<16xf32, #tpu.memory_space<vmem>>)
    %dma_wait3A_135 = arith.constant 0 : i32
    %dma_wait3A_136 = tpu.memref_slice %arg2[%add3A, %dma_wait3A_135] : memref<50x4096xi32, #tpu.memory_space<hbm>> -> memref<1x4096xi32, #tpu.memory_space<hbm>>
    %dma_wait3A_137 = tpu.memref_squeeze %dma_wait3A_136 : memref<1x4096xi32, #tpu.memory_space<hbm>> -> memref<4096xi32, #tpu.memory_space<hbm>>
    %dma_wait3A_138 = arith.constant 0 : i32
    %dma_wait3A_139 = tpu.memref_slice %arg2[%add3A, %dma_wait3A_138] : memref<50x4096xi32, #tpu.memory_space<hbm>> -> memref<1x4096xi32, #tpu.memory_space<hbm>>
    %dma_wait3A_140 = tpu.memref_squeeze %dma_wait3A_139 : memref<1x4096xi32, #tpu.memory_space<hbm>> -> memref<4096xi32, #tpu.memory_space<hbm>>
    tpu.wait_dma2 semaphore(%arg14 : memref<!tpu.dma_semaphore, #tpu.memory_space<semaphore_mem>>) src(%dma_wait3A_140 : memref<4096xi32, #tpu.memory_space<hbm>>) dst(%arg8 : memref<4096xi32, #tpu.memory_space<vmem>>)
    %dma_wait3A_141 = arith.constant 0 : i32
    %dma_wait3A_142 = tpu.memref_slice %arg3[%add3A, %dma_wait3A_141] : memref<50x4096xf32, #tpu.memory_space<hbm>> -> memref<1x4096xf32, #tpu.memory_space<hbm>>
    %dma_wait3A_143 = tpu.memref_squeeze %dma_wait3A_142 : memref<1x4096xf32, #tpu.memory_space<hbm>> -> memref<4096xf32, #tpu.memory_space<hbm>>
    %dma_wait3A_144 = arith.constant 0 : i32
    %dma_wait3A_145 = tpu.memref_slice %arg3[%add3A, %dma_wait3A_144] : memref<50x4096xf32, #tpu.memory_space<hbm>> -> memref<1x4096xf32, #tpu.memory_space<hbm>>
    %dma_wait3A_146 = tpu.memref_squeeze %dma_wait3A_145 : memref<1x4096xf32, #tpu.memory_space<hbm>> -> memref<4096xf32, #tpu.memory_space<hbm>>
    tpu.wait_dma2 semaphore(%arg14 : memref<!tpu.dma_semaphore, #tpu.memory_space<semaphore_mem>>) src(%dma_wait3A_146 : memref<4096xf32, #tpu.memory_space<hbm>>) dst(%arg9 : memref<4096xf32, #tpu.memory_space<vmem>>)
    %get3A = arith.constant 0 : index
    %get3A_147 = tpu.vector_load %arg12[%get3A] {strides = array<i32>} : memref<16xf32, #tpu.memory_space<vmem>>, vector<16xf32>,
    %slice3A = vector.extract_strided_slice %get3A_147 {offsets = [0], sizes = [1], strides = [1]} : vector<16xf32> to vector<1xf32>
    %squeeze3A = vector.extract %slice3A[0] : f32 from vector<1xf32>
    %broadcast_in_dim3A = arith.constant 0.000000e+00 : f32
    %broadcast_in_dim3A_148 = vector.broadcast %broadcast_in_dim3A : f32 to vector<16xf32>
    %scan3A = arith.constant 0 : i32
    %scan3A_149 = arith.constant 64 : i32
    %scan3A_150 = arith.addi %scan3A, %scan3A_149 : i32
    %scan3A_151 = arith.constant 1 : i32
    %scan3A_152 = scf.for %scan3A_172 = %scan3A to %scan3A_150 step %scan3A_151 iter_args(%scan3A_173 = %broadcast_in_dim3A_148) -> (vector<16xf32>)  : i32 {
      %mul3A_174 = arith.constant 4 : i32
      %mul3A_175 = arith.muli %scan3A_172, %mul3A_174 : i32
      %add3A_176 = arith.constant 0 : i32
      %add3A_177 = arith.addi %mul3A_175, %add3A_176 : i32
      %mul3A_178 = arith.constant 16 : i32
      %mul3A_179 = arith.muli %add3A_177, %mul3A_178 : i32
      %get3A_180 = arith.index_cast %mul3A_179 : i32 to index
      %get3A_181 = tpu.vector_load %arg8[%get3A_180] {strides = array<i32>} : memref<4096xi32, #tpu.memory_space<vmem>>, vector<16xi32>,
      %ge3A = arith.constant 50000 : i32
      %ge3A_182 = vector.broadcast %ge3A : i32 to vector<16xi32>
      %ge3A_183 = arith.cmpi sge, %get3A_181, %ge3A_182 : vector<16xi32>
      %sub3A = arith.constant 50000 : i32
      %sub3A_184 = vector.broadcast %sub3A : i32 to vector<16xi32>
      %sub3A_185 = arith.subi %get3A_181, %sub3A_184 : vector<16xi32>
      %select_n3A = arith.select %ge3A_183, %sub3A_185, %get3A_181 : vector<16xi1>, vector<16xi32>
      %gather3A = tpu.vector_load_idx %arg7[%select_n3A] : memref<50000xi32, #tpu.memory_space<vmem>>[vector<16xi32>], vector<16xi32>,
      %and3A = arith.constant -65536 : i32
      %and3A_186 = vector.broadcast %and3A : i32 to vector<16xi32>
      %and3A_187 = arith.andi %gather3A, %and3A_186 : vector<16xi32>
      %shift_left3A = arith.constant 16 : i32
      %shift_left3A_188 = vector.broadcast %shift_left3A : i32 to vector<16xi32>
      %shift_left3A_189 = arith.shli %gather3A, %shift_left3A_188 : vector<16xi32>
      %select_n3A_190 = arith.select %ge3A_183, %and3A_187, %shift_left3A_189 : vector<16xi1>, vector<16xi32>
      %bitcast3A = vector.bitcast %select_n3A_190 : vector<16xi32> to vector<16xf32>
      %get3A_191 = arith.index_cast %mul3A_179 : i32 to index
      %get3A_192 = tpu.vector_load %arg9[%get3A_191] {strides = array<i32>} : memref<4096xf32, #tpu.memory_space<vmem>>, vector<16xf32>,
      %mul3A_193 = arith.mulf %bitcast3A, %get3A_192 : vector<16xf32>
      %add3A_194 = arith.addf %scan3A_173, %mul3A_193 : vector<16xf32>
      %mul3A_195 = arith.constant 4 : i32
      %mul3A_196 = arith.muli %scan3A_172, %mul3A_195 : i32
      %add3A_197 = arith.constant 1 : i32
      %add3A_198 = arith.addi %mul3A_196, %add3A_197 : i32
      %mul3A_199 = arith.constant 16 : i32
      %mul3A_200 = arith.muli %add3A_198, %mul3A_199 : i32
      %get3A_201 = arith.index_cast %mul3A_200 : i32 to index
      %get3A_202 = tpu.vector_load %arg8[%get3A_201] {strides = array<i32>} : memref<4096xi32, #tpu.memory_space<vmem>>, vector<16xi32>,
      %ge3A_203 = arith.constant 50000 : i32
      %ge3A_204 = vector.broadcast %ge3A_203 : i32 to vector<16xi32>
      %ge3A_205 = arith.cmpi sge, %get3A_202, %ge3A_204 : vector<16xi32>
      %sub3A_206 = arith.constant 50000 : i32
      %sub3A_207 = vector.broadcast %sub3A_206 : i32 to vector<16xi32>
      %sub3A_208 = arith.subi %get3A_202, %sub3A_207 : vector<16xi32>
      %select_n3A_209 = arith.select %ge3A_205, %sub3A_208, %get3A_202 : vector<16xi1>, vector<16xi32>
      %gather3A_210 = tpu.vector_load_idx %arg7[%select_n3A_209] : memref<50000xi32, #tpu.memory_space<vmem>>[vector<16xi32>], vector<16xi32>,
      %and3A_211 = arith.constant -65536 : i32
      %and3A_212 = vector.broadcast %and3A_211 : i32 to vector<16xi32>
      %and3A_213 = arith.andi %gather3A_210, %and3A_212 : vector<16xi32>
      %shift_left3A_214 = arith.constant 16 : i32
      %shift_left3A_215 = vector.broadcast %shift_left3A_214 : i32 to vector<16xi32>
      %shift_left3A_216 = arith.shli %gather3A_210, %shift_left3A_215 : vector<16xi32>
      %select_n3A_217 = arith.select %ge3A_205, %and3A_213, %shift_left3A_216 : vector<16xi1>, vector<16xi32>
      %bitcast3A_218 = vector.bitcast %select_n3A_217 : vector<16xi32> to vector<16xf32>
      %get3A_219 = arith.index_cast %mul3A_200 : i32 to index
      %get3A_220 = tpu.vector_load %arg9[%get3A_219] {strides = array<i32>} : memref<4096xf32, #tpu.memory_space<vmem>>, vector<16xf32>,
      %mul3A_221 = arith.mulf %bitcast3A_218, %get3A_220 : vector<16xf32>
      %add3A_222 = arith.addf %add3A_194, %mul3A_221 : vector<16xf32>
      %mul3A_223 = arith.constant 4 : i32
      %mul3A_224 = arith.muli %scan3A_172, %mul3A_223 : i32
      %add3A_225 = arith.constant 2 : i32
      %add3A_226 = arith.addi %mul3A_224, %add3A_225 : i32
      %mul3A_227 = arith.constant 16 : i32
      %mul3A_228 = arith.muli %add3A_226, %mul3A_227 : i32
      %get3A_229 = arith.index_cast %mul3A_228 : i32 to index
      %get3A_230 = tpu.vector_load %arg8[%get3A_229] {strides = array<i32>} : memref<4096xi32, #tpu.memory_space<vmem>>, vector<16xi32>,
      %ge3A_231 = arith.constant 50000 : i32
      %ge3A_232 = vector.broadcast %ge3A_231 : i32 to vector<16xi32>
      %ge3A_233 = arith.cmpi sge, %get3A_230, %ge3A_232 : vector<16xi32>
      %sub3A_234 = arith.constant 50000 : i32
      %sub3A_235 = vector.broadcast %sub3A_234 : i32 to vector<16xi32>
      %sub3A_236 = arith.subi %get3A_230, %sub3A_235 : vector<16xi32>
      %select_n3A_237 = arith.select %ge3A_233, %sub3A_236, %get3A_230 : vector<16xi1>, vector<16xi32>
      %gather3A_238 = tpu.vector_load_idx %arg7[%select_n3A_237] : memref<50000xi32, #tpu.memory_space<vmem>>[vector<16xi32>], vector<16xi32>,
      %and3A_239 = arith.constant -65536 : i32
      %and3A_240 = vector.broadcast %and3A_239 : i32 to vector<16xi32>
      %and3A_241 = arith.andi %gather3A_238, %and3A_240 : vector<16xi32>
      %shift_left3A_242 = arith.constant 16 : i32
      %shift_left3A_243 = vector.broadcast %shift_left3A_242 : i32 to vector<16xi32>
      %shift_left3A_244 = arith.shli %gather3A_238, %shift_left3A_243 : vector<16xi32>
      %select_n3A_245 = arith.select %ge3A_233, %and3A_241, %shift_left3A_244 : vector<16xi1>, vector<16xi32>
      %bitcast3A_246 = vector.bitcast %select_n3A_245 : vector<16xi32> to vector<16xf32>
      %get3A_247 = arith.index_cast %mul3A_228 : i32 to index
      %get3A_248 = tpu.vector_load %arg9[%get3A_247] {strides = array<i32>} : memref<4096xf32, #tpu.memory_space<vmem>>, vector<16xf32>,
      %mul3A_249 = arith.mulf %bitcast3A_246, %get3A_248 : vector<16xf32>
      %add3A_250 = arith.addf %add3A_222, %mul3A_249 : vector<16xf32>
      %mul3A_251 = arith.constant 4 : i32
      %mul3A_252 = arith.muli %scan3A_172, %mul3A_251 : i32
      %add3A_253 = arith.constant 3 : i32
      %add3A_254 = arith.addi %mul3A_252, %add3A_253 : i32
      %mul3A_255 = arith.constant 16 : i32
      %mul3A_256 = arith.muli %add3A_254, %mul3A_255 : i32
      %get3A_257 = arith.index_cast %mul3A_256 : i32 to index
      %get3A_258 = tpu.vector_load %arg8[%get3A_257] {strides = array<i32>} : memref<4096xi32, #tpu.memory_space<vmem>>, vector<16xi32>,
      %ge3A_259 = arith.constant 50000 : i32
      %ge3A_260 = vector.broadcast %ge3A_259 : i32 to vector<16xi32>
      %ge3A_261 = arith.cmpi sge, %get3A_258, %ge3A_260 : vector<16xi32>
      %sub3A_262 = arith.constant 50000 : i32
      %sub3A_263 = vector.broadcast %sub3A_262 : i32 to vector<16xi32>
      %sub3A_264 = arith.subi %get3A_258, %sub3A_263 : vector<16xi32>
      %select_n3A_265 = arith.select %ge3A_261, %sub3A_264, %get3A_258 : vector<16xi1>, vector<16xi32>
      %gather3A_266 = tpu.vector_load_idx %arg7[%select_n3A_265] : memref<50000xi32, #tpu.memory_space<vmem>>[vector<16xi32>], vector<16xi32>,
      %and3A_267 = arith.constant -65536 : i32
      %and3A_268 = vector.broadcast %and3A_267 : i32 to vector<16xi32>
      %and3A_269 = arith.andi %gather3A_266, %and3A_268 : vector<16xi32>
      %shift_left3A_270 = arith.constant 16 : i32
      %shift_left3A_271 = vector.broadcast %shift_left3A_270 : i32 to vector<16xi32>
      %shift_left3A_272 = arith.shli %gather3A_266, %shift_left3A_271 : vector<16xi32>
      %select_n3A_273 = arith.select %ge3A_261, %and3A_269, %shift_left3A_272 : vector<16xi1>, vector<16xi32>
      %bitcast3A_274 = vector.bitcast %select_n3A_273 : vector<16xi32> to vector<16xf32>
      %get3A_275 = arith.index_cast %mul3A_256 : i32 to index
      %get3A_276 = tpu.vector_load %arg9[%get3A_275] {strides = array<i32>} : memref<4096xf32, #tpu.memory_space<vmem>>, vector<16xf32>,
      %mul3A_277 = arith.mulf %bitcast3A_274, %get3A_276 : vector<16xf32>
      %add3A_278 = arith.addf %add3A_250, %mul3A_277 : vector<16xf32>
      scf.yield %add3A_278 : vector<16xf32>
    }
    %scan3A_153 = arith.constant 64 : i32
    %reduce_sum3A = arith.constant true
    %reduce_sum3A_154 = vector.broadcast %reduce_sum3A : i1 to vector<16xi1>
    %reduce_sum3A_155 = tpu.scan <sum>, %scan3A_152 masked %reduce_sum3A_154 : vector<16xf32>, vector<16xi1> -> vector<16xf32>
    %reduce_sum3A_156 = vector.extract %reduce_sum3A_155[15] : f32 from vector<16xf32>
    %mul3A_157 = arith.constant 2.44140625E-4 : f32
    %mul3A_158 = arith.mulf %reduce_sum3A_156, %mul3A_157 : f32
    %add3A_159 = arith.addf %mul3A_158, %squeeze3A : f32
    %broadcast_in_dim3A_160 = vector.broadcast %add3A_159 : f32 to vector<16xf32>
    %neg3A = arith.constant 0.000000e+00 : f32
    %neg3A_161 = vector.broadcast %neg3A : f32 to vector<16xf32>
    %neg3A_162 = arith.subf %neg3A_161, %broadcast_in_dim3A_160 : vector<16xf32>
    %exp3A = math.exp %neg3A_162 : vector<16xf32>
    %add3A_163 = arith.constant 1.000000e+00 : f32
    %add3A_164 = vector.broadcast %add3A_163 : f32 to vector<16xf32>
    %add3A_165 = arith.addf %add3A_164, %exp3A : vector<16xf32>
    %div3A = arith.constant 1.000000e+00 : f32
    %div3A_166 = vector.broadcast %div3A : f32 to vector<16xf32>
    %div3A_167 = arith.divf %div3A_166, %add3A_165 : vector<16xf32>
    %swap3A = arith.constant 0 : index
    %swap3A_168 = tpu.vector_load %arg13[%swap3A] {strides = array<i32>} : memref<16xf32, #tpu.memory_space<vmem>>, vector<16xf32>,
    tpu.vector_store %arg13[%swap3A], %div3A_167 {strides = array<i32>} : memref<16xf32, #tpu.memory_space<vmem>>, vector<16xf32>,
    "tpu.region"() ({
      %run_scoped3A = tpu.sem_alloc : memref<!tpu.dma_semaphore, #tpu.memory_space<semaphore_mem>>
      %dma_start3A_172 = arith.constant 0 : i32
      %dma_start3A_173 = tpu.memref_slice %arg6[%add3A, %dma_start3A_172] : memref<50x16xf32, #tpu.memory_space<hbm>> -> memref<1x16xf32, #tpu.memory_space<hbm>>
      %dma_start3A_174 = tpu.memref_squeeze %dma_start3A_173 : memref<1x16xf32, #tpu.memory_space<hbm>> -> memref<16xf32, #tpu.memory_space<hbm>>
      %dma_start3A_175 = arith.constant 0 : i32
      %dma_start3A_176 = tpu.memref_slice %arg6[%add3A, %dma_start3A_175] : memref<50x16xf32, #tpu.memory_space<hbm>> -> memref<1x16xf32, #tpu.memory_space<hbm>>
      %dma_start3A_177 = tpu.memref_squeeze %dma_start3A_176 : memref<1x16xf32, #tpu.memory_space<hbm>> -> memref<16xf32, #tpu.memory_space<hbm>>
      tpu.enqueue_dma source(%arg13 : memref<16xf32, #tpu.memory_space<vmem>>) target(%dma_start3A_177 : memref<16xf32, #tpu.memory_space<hbm>>) target_semaphore(%run_scoped3A : memref<!tpu.dma_semaphore, #tpu.memory_space<semaphore_mem>>)
      %dma_wait3A_178 = arith.constant 0 : i32
      %dma_wait3A_179 = tpu.memref_slice %arg6[%add3A, %dma_wait3A_178] : memref<50x16xf32, #tpu.memory_space<hbm>> -> memref<1x16xf32, #tpu.memory_space<hbm>>
      %dma_wait3A_180 = tpu.memref_squeeze %dma_wait3A_179 : memref<1x16xf32, #tpu.memory_space<hbm>> -> memref<16xf32, #tpu.memory_space<hbm>>
      %dma_wait3A_181 = arith.constant 0 : i32
      %dma_wait3A_182 = tpu.memref_slice %arg6[%add3A, %dma_wait3A_181] : memref<50x16xf32, #tpu.memory_space<hbm>> -> memref<1x16xf32, #tpu.memory_space<hbm>>
      %dma_wait3A_183 = tpu.memref_squeeze %dma_wait3A_182 : memref<1x16xf32, #tpu.memory_space<hbm>> -> memref<16xf32, #tpu.memory_space<hbm>>
      tpu.wait_dma2 semaphore(%run_scoped3A : memref<!tpu.dma_semaphore, #tpu.memory_space<semaphore_mem>>) src(%arg13 : memref<16xf32, #tpu.memory_space<vmem>>) dst(%dma_wait3A_183 : memref<16xf32, #tpu.memory_space<hbm>>)
      tpu.yield
    }) : () -> ()
    %convert_element_type3A_169 = arith.extui %lt3A_3 : i1 to i32
    %cond3A_170 = arith.constant 0 : i32
    %cond3A_171 = arith.cmpi ne, %convert_element_type3A_169, %cond3A_170 : i32
    scf.if %cond3A_171 {
      %dma_wait3A_172 = arith.constant 0 : i32
      %dma_wait3A_173 = tpu.memref_slice %arg2[%add3A_2, %dma_wait3A_172] : memref<50x4096xi32, #tpu.memory_space<hbm>> -> memref<1x4096xi32, #tpu.memory_space<hbm>>
      %dma_wait3A_174 = tpu.memref_squeeze %dma_wait3A_173 : memref<1x4096xi32, #tpu.memory_space<hbm>> -> memref<4096xi32, #tpu.memory_space<hbm>>
      %dma_wait3A_175 = arith.constant 0 : i32
      %dma_wait3A_176 = tpu.memref_slice %arg2[%add3A_2, %dma_wait3A_175] : memref<50x4096xi32, #tpu.memory_space<hbm>> -> memref<1x4096xi32, #tpu.memory_space<hbm>>
      %dma_wait3A_177 = tpu.memref_squeeze %dma_wait3A_176 : memref<1x4096xi32, #tpu.memory_space<hbm>> -> memref<4096xi32, #tpu.memory_space<hbm>>
      tpu.wait_dma2 semaphore(%arg15 : memref<!tpu.dma_semaphore, #tpu.memory_space<semaphore_mem>>) src(%dma_wait3A_177 : memref<4096xi32, #tpu.memory_space<hbm>>) dst(%arg10 : memref<4096xi32, #tpu.memory_space<vmem>>)
      %dma_wait3A_178 = arith.constant 0 : i32
      %dma_wait3A_179 = tpu.memref_slice %arg3[%add3A_2, %dma_wait3A_178] : memref<50x4096xf32, #tpu.memory_space<hbm>> -> memref<1x4096xf32, #tpu.memory_space<hbm>>
      %dma_wait3A_180 = tpu.memref_squeeze %dma_wait3A_179 : memref<1x4096xf32, #tpu.memory_space<hbm>> -> memref<4096xf32, #tpu.memory_space<hbm>>
      %dma_wait3A_181 = arith.constant 0 : i32
      %dma_wait3A_182 = tpu.memref_slice %arg3[%add3A_2, %dma_wait3A_181] : memref<50x4096xf32, #tpu.memory_space<hbm>> -> memref<1x4096xf32, #tpu.memory_space<hbm>>
      %dma_wait3A_183 = tpu.memref_squeeze %dma_wait3A_182 : memref<1x4096xf32, #tpu.memory_space<hbm>> -> memref<4096xf32, #tpu.memory_space<hbm>>
      tpu.wait_dma2 semaphore(%arg15 : memref<!tpu.dma_semaphore, #tpu.memory_space<semaphore_mem>>) src(%dma_wait3A_183 : memref<4096xf32, #tpu.memory_space<hbm>>) dst(%arg11 : memref<4096xf32, #tpu.memory_space<vmem>>)
      %broadcast_in_dim3A_184 = arith.constant 0.000000e+00 : f32
      %broadcast_in_dim3A_185 = vector.broadcast %broadcast_in_dim3A_184 : f32 to vector<16xf32>
      %scan3A_186 = arith.constant 0 : i32
      %scan3A_187 = arith.constant 64 : i32
      %scan3A_188 = arith.addi %scan3A_186, %scan3A_187 : i32
      %scan3A_189 = arith.constant 1 : i32
      %scan3A_190 = scf.for %scan3A_212 = %scan3A_186 to %scan3A_188 step %scan3A_189 iter_args(%scan3A_213 = %broadcast_in_dim3A_185) -> (vector<16xf32>)  : i32 {
        %mul3A_214 = arith.constant 4 : i32
        %mul3A_215 = arith.muli %scan3A_212, %mul3A_214 : i32
        %add3A_216 = arith.constant 0 : i32
        %add3A_217 = arith.addi %mul3A_215, %add3A_216 : i32
        %mul3A_218 = arith.constant 16 : i32
        %mul3A_219 = arith.muli %add3A_217, %mul3A_218 : i32
        %get3A_220 = arith.index_cast %mul3A_219 : i32 to index
        %get3A_221 = tpu.vector_load %arg10[%get3A_220] {strides = array<i32>} : memref<4096xi32, #tpu.memory_space<vmem>>, vector<16xi32>,
        %ge3A = arith.constant 50000 : i32
        %ge3A_222 = vector.broadcast %ge3A : i32 to vector<16xi32>
        %ge3A_223 = arith.cmpi sge, %get3A_221, %ge3A_222 : vector<16xi32>
        %sub3A = arith.constant 50000 : i32
        %sub3A_224 = vector.broadcast %sub3A : i32 to vector<16xi32>
        %sub3A_225 = arith.subi %get3A_221, %sub3A_224 : vector<16xi32>
        %select_n3A = arith.select %ge3A_223, %sub3A_225, %get3A_221 : vector<16xi1>, vector<16xi32>
        %gather3A = tpu.vector_load_idx %arg7[%select_n3A] : memref<50000xi32, #tpu.memory_space<vmem>>[vector<16xi32>], vector<16xi32>,
        %and3A = arith.constant -65536 : i32
        %and3A_226 = vector.broadcast %and3A : i32 to vector<16xi32>
        %and3A_227 = arith.andi %gather3A, %and3A_226 : vector<16xi32>
        %shift_left3A = arith.constant 16 : i32
        %shift_left3A_228 = vector.broadcast %shift_left3A : i32 to vector<16xi32>
        %shift_left3A_229 = arith.shli %gather3A, %shift_left3A_228 : vector<16xi32>
        %select_n3A_230 = arith.select %ge3A_223, %and3A_227, %shift_left3A_229 : vector<16xi1>, vector<16xi32>
        %bitcast3A = vector.bitcast %select_n3A_230 : vector<16xi32> to vector<16xf32>
        %get3A_231 = arith.index_cast %mul3A_219 : i32 to index
        %get3A_232 = tpu.vector_load %arg11[%get3A_231] {strides = array<i32>} : memref<4096xf32, #tpu.memory_space<vmem>>, vector<16xf32>,
        %mul3A_233 = arith.mulf %bitcast3A, %get3A_232 : vector<16xf32>
        %add3A_234 = arith.addf %scan3A_213, %mul3A_233 : vector<16xf32>
        %mul3A_235 = arith.constant 4 : i32
        %mul3A_236 = arith.muli %scan3A_212, %mul3A_235 : i32
        %add3A_237 = arith.constant 1 : i32
        %add3A_238 = arith.addi %mul3A_236, %add3A_237 : i32
        %mul3A_239 = arith.constant 16 : i32
        %mul3A_240 = arith.muli %add3A_238, %mul3A_239 : i32
        %get3A_241 = arith.index_cast %mul3A_240 : i32 to index
        %get3A_242 = tpu.vector_load %arg10[%get3A_241] {strides = array<i32>} : memref<4096xi32, #tpu.memory_space<vmem>>, vector<16xi32>,
        %ge3A_243 = arith.constant 50000 : i32
        %ge3A_244 = vector.broadcast %ge3A_243 : i32 to vector<16xi32>
        %ge3A_245 = arith.cmpi sge, %get3A_242, %ge3A_244 : vector<16xi32>
        %sub3A_246 = arith.constant 50000 : i32
        %sub3A_247 = vector.broadcast %sub3A_246 : i32 to vector<16xi32>
        %sub3A_248 = arith.subi %get3A_242, %sub3A_247 : vector<16xi32>
        %select_n3A_249 = arith.select %ge3A_245, %sub3A_248, %get3A_242 : vector<16xi1>, vector<16xi32>
        %gather3A_250 = tpu.vector_load_idx %arg7[%select_n3A_249] : memref<50000xi32, #tpu.memory_space<vmem>>[vector<16xi32>], vector<16xi32>,
        %and3A_251 = arith.constant -65536 : i32
        %and3A_252 = vector.broadcast %and3A_251 : i32 to vector<16xi32>
        %and3A_253 = arith.andi %gather3A_250, %and3A_252 : vector<16xi32>
        %shift_left3A_254 = arith.constant 16 : i32
        %shift_left3A_255 = vector.broadcast %shift_left3A_254 : i32 to vector<16xi32>
        %shift_left3A_256 = arith.shli %gather3A_250, %shift_left3A_255 : vector<16xi32>
        %select_n3A_257 = arith.select %ge3A_245, %and3A_253, %shift_left3A_256 : vector<16xi1>, vector<16xi32>
        %bitcast3A_258 = vector.bitcast %select_n3A_257 : vector<16xi32> to vector<16xf32>
        %get3A_259 = arith.index_cast %mul3A_240 : i32 to index
        %get3A_260 = tpu.vector_load %arg11[%get3A_259] {strides = array<i32>} : memref<4096xf32, #tpu.memory_space<vmem>>, vector<16xf32>,
        %mul3A_261 = arith.mulf %bitcast3A_258, %get3A_260 : vector<16xf32>
        %add3A_262 = arith.addf %add3A_234, %mul3A_261 : vector<16xf32>
        %mul3A_263 = arith.constant 4 : i32
        %mul3A_264 = arith.muli %scan3A_212, %mul3A_263 : i32
        %add3A_265 = arith.constant 2 : i32
        %add3A_266 = arith.addi %mul3A_264, %add3A_265 : i32
        %mul3A_267 = arith.constant 16 : i32
        %mul3A_268 = arith.muli %add3A_266, %mul3A_267 : i32
        %get3A_269 = arith.index_cast %mul3A_268 : i32 to index
        %get3A_270 = tpu.vector_load %arg10[%get3A_269] {strides = array<i32>} : memref<4096xi32, #tpu.memory_space<vmem>>, vector<16xi32>,
        %ge3A_271 = arith.constant 50000 : i32
        %ge3A_272 = vector.broadcast %ge3A_271 : i32 to vector<16xi32>
        %ge3A_273 = arith.cmpi sge, %get3A_270, %ge3A_272 : vector<16xi32>
        %sub3A_274 = arith.constant 50000 : i32
        %sub3A_275 = vector.broadcast %sub3A_274 : i32 to vector<16xi32>
        %sub3A_276 = arith.subi %get3A_270, %sub3A_275 : vector<16xi32>
        %select_n3A_277 = arith.select %ge3A_273, %sub3A_276, %get3A_270 : vector<16xi1>, vector<16xi32>
        %gather3A_278 = tpu.vector_load_idx %arg7[%select_n3A_277] : memref<50000xi32, #tpu.memory_space<vmem>>[vector<16xi32>], vector<16xi32>,
        %and3A_279 = arith.constant -65536 : i32
        %and3A_280 = vector.broadcast %and3A_279 : i32 to vector<16xi32>
        %and3A_281 = arith.andi %gather3A_278, %and3A_280 : vector<16xi32>
        %shift_left3A_282 = arith.constant 16 : i32
        %shift_left3A_283 = vector.broadcast %shift_left3A_282 : i32 to vector<16xi32>
        %shift_left3A_284 = arith.shli %gather3A_278, %shift_left3A_283 : vector<16xi32>
        %select_n3A_285 = arith.select %ge3A_273, %and3A_281, %shift_left3A_284 : vector<16xi1>, vector<16xi32>
        %bitcast3A_286 = vector.bitcast %select_n3A_285 : vector<16xi32> to vector<16xf32>
        %get3A_287 = arith.index_cast %mul3A_268 : i32 to index
        %get3A_288 = tpu.vector_load %arg11[%get3A_287] {strides = array<i32>} : memref<4096xf32, #tpu.memory_space<vmem>>, vector<16xf32>,
        %mul3A_289 = arith.mulf %bitcast3A_286, %get3A_288 : vector<16xf32>
        %add3A_290 = arith.addf %add3A_262, %mul3A_289 : vector<16xf32>
        %mul3A_291 = arith.constant 4 : i32
        %mul3A_292 = arith.muli %scan3A_212, %mul3A_291 : i32
        %add3A_293 = arith.constant 3 : i32
        %add3A_294 = arith.addi %mul3A_292, %add3A_293 : i32
        %mul3A_295 = arith.constant 16 : i32
        %mul3A_296 = arith.muli %add3A_294, %mul3A_295 : i32
        %get3A_297 = arith.index_cast %mul3A_296 : i32 to index
        %get3A_298 = tpu.vector_load %arg10[%get3A_297] {strides = array<i32>} : memref<4096xi32, #tpu.memory_space<vmem>>, vector<16xi32>,
        %ge3A_299 = arith.constant 50000 : i32
        %ge3A_300 = vector.broadcast %ge3A_299 : i32 to vector<16xi32>
        %ge3A_301 = arith.cmpi sge, %get3A_298, %ge3A_300 : vector<16xi32>
        %sub3A_302 = arith.constant 50000 : i32
        %sub3A_303 = vector.broadcast %sub3A_302 : i32 to vector<16xi32>
        %sub3A_304 = arith.subi %get3A_298, %sub3A_303 : vector<16xi32>
        %select_n3A_305 = arith.select %ge3A_301, %sub3A_304, %get3A_298 : vector<16xi1>, vector<16xi32>
        %gather3A_306 = tpu.vector_load_idx %arg7[%select_n3A_305] : memref<50000xi32, #tpu.memory_space<vmem>>[vector<16xi32>], vector<16xi32>,
        %and3A_307 = arith.constant -65536 : i32
        %and3A_308 = vector.broadcast %and3A_307 : i32 to vector<16xi32>
        %and3A_309 = arith.andi %gather3A_306, %and3A_308 : vector<16xi32>
        %shift_left3A_310 = arith.constant 16 : i32
        %shift_left3A_311 = vector.broadcast %shift_left3A_310 : i32 to vector<16xi32>
        %shift_left3A_312 = arith.shli %gather3A_306, %shift_left3A_311 : vector<16xi32>
        %select_n3A_313 = arith.select %ge3A_301, %and3A_309, %shift_left3A_312 : vector<16xi1>, vector<16xi32>
        %bitcast3A_314 = vector.bitcast %select_n3A_313 : vector<16xi32> to vector<16xf32>
        %get3A_315 = arith.index_cast %mul3A_296 : i32 to index
        %get3A_316 = tpu.vector_load %arg11[%get3A_315] {strides = array<i32>} : memref<4096xf32, #tpu.memory_space<vmem>>, vector<16xf32>,
        %mul3A_317 = arith.mulf %bitcast3A_314, %get3A_316 : vector<16xf32>
        %add3A_318 = arith.addf %add3A_290, %mul3A_317 : vector<16xf32>
        scf.yield %add3A_318 : vector<16xf32>
      }
      %scan3A_191 = arith.constant 64 : i32
      %reduce_sum3A_192 = arith.constant true
      %reduce_sum3A_193 = vector.broadcast %reduce_sum3A_192 : i1 to vector<16xi1>
      %reduce_sum3A_194 = tpu.scan <sum>, %scan3A_190 masked %reduce_sum3A_193 : vector<16xf32>, vector<16xi1> -> vector<16xf32>
      %reduce_sum3A_195 = vector.extract %reduce_sum3A_194[15] : f32 from vector<16xf32>
      %mul3A_196 = arith.constant 2.44140625E-4 : f32
      %mul3A_197 = arith.mulf %reduce_sum3A_195, %mul3A_196 : f32
      %add3A_198 = arith.addf %mul3A_197, %squeeze3A : f32
      %broadcast_in_dim3A_199 = vector.broadcast %add3A_198 : f32 to vector<16xf32>
      %neg3A_200 = arith.constant 0.000000e+00 : f32
      %neg3A_201 = vector.broadcast %neg3A_200 : f32 to vector<16xf32>
      %neg3A_202 = arith.subf %neg3A_201, %broadcast_in_dim3A_199 : vector<16xf32>
      %exp3A_203 = math.exp %neg3A_202 : vector<16xf32>
      %add3A_204 = arith.constant 1.000000e+00 : f32
      %add3A_205 = vector.broadcast %add3A_204 : f32 to vector<16xf32>
      %add3A_206 = arith.addf %add3A_205, %exp3A_203 : vector<16xf32>
      %div3A_207 = arith.constant 1.000000e+00 : f32
      %div3A_208 = vector.broadcast %div3A_207 : f32 to vector<16xf32>
      %div3A_209 = arith.divf %div3A_208, %add3A_206 : vector<16xf32>
      %swap3A_210 = arith.constant 0 : index
      %swap3A_211 = tpu.vector_load %arg13[%swap3A_210] {strides = array<i32>} : memref<16xf32, #tpu.memory_space<vmem>>, vector<16xf32>,
      tpu.vector_store %arg13[%swap3A_210], %div3A_209 {strides = array<i32>} : memref<16xf32, #tpu.memory_space<vmem>>, vector<16xf32>,
      "tpu.region"() ({
        %run_scoped3A = tpu.sem_alloc : memref<!tpu.dma_semaphore, #tpu.memory_space<semaphore_mem>>
        %dma_start3A_212 = arith.constant 0 : i32
        %dma_start3A_213 = tpu.memref_slice %arg6[%add3A_2, %dma_start3A_212] : memref<50x16xf32, #tpu.memory_space<hbm>> -> memref<1x16xf32, #tpu.memory_space<hbm>>
        %dma_start3A_214 = tpu.memref_squeeze %dma_start3A_213 : memref<1x16xf32, #tpu.memory_space<hbm>> -> memref<16xf32, #tpu.memory_space<hbm>>
        %dma_start3A_215 = arith.constant 0 : i32
        %dma_start3A_216 = tpu.memref_slice %arg6[%add3A_2, %dma_start3A_215] : memref<50x16xf32, #tpu.memory_space<hbm>> -> memref<1x16xf32, #tpu.memory_space<hbm>>
        %dma_start3A_217 = tpu.memref_squeeze %dma_start3A_216 : memref<1x16xf32, #tpu.memory_space<hbm>> -> memref<16xf32, #tpu.memory_space<hbm>>
        tpu.enqueue_dma source(%arg13 : memref<16xf32, #tpu.memory_space<vmem>>) target(%dma_start3A_217 : memref<16xf32, #tpu.memory_space<hbm>>) target_semaphore(%run_scoped3A : memref<!tpu.dma_semaphore, #tpu.memory_space<semaphore_mem>>)
        %dma_wait3A_218 = arith.constant 0 : i32
        %dma_wait3A_219 = tpu.memref_slice %arg6[%add3A_2, %dma_wait3A_218] : memref<50x16xf32, #tpu.memory_space<hbm>> -> memref<1x16xf32, #tpu.memory_space<hbm>>
        %dma_wait3A_220 = tpu.memref_squeeze %dma_wait3A_219 : memref<1x16xf32, #tpu.memory_space<hbm>> -> memref<16xf32, #tpu.memory_space<hbm>>
        %dma_wait3A_221 = arith.constant 0 : i32
        %dma_wait3A_222 = tpu.memref_slice %arg6[%add3A_2, %dma_wait3A_221] : memref<50x16xf32, #tpu.memory_space<hbm>> -> memref<1x16xf32, #tpu.memory_space<hbm>>
        %dma_wait3A_223 = tpu.memref_squeeze %dma_wait3A_222 : memref<1x16xf32, #tpu.memory_space<hbm>> -> memref<16xf32, #tpu.memory_space<hbm>>
        tpu.wait_dma2 semaphore(%run_scoped3A : memref<!tpu.dma_semaphore, #tpu.memory_space<semaphore_mem>>) src(%arg13 : memref<16xf32, #tpu.memory_space<vmem>>) dst(%dma_wait3A_223 : memref<16xf32, #tpu.memory_space<hbm>>)
        tpu.yield
      }) : () -> ()
    } else {
    }
    return
  }
}

module attributes {stable_mosaic.version = 14 : i64} {
  func.func @_matvec_body(%arg0: i32, %arg1: memref<10000x128xf32, #tpu.memory_space<vmem>>, %arg2: memref<10000x128xf32, #tpu.memory_space<vmem>>, %arg3: memref<1x128xf32, #tpu.memory_space<vmem>>, %arg4: memref<1x1x10000xi32, #tpu.memory_space<vmem>>) attributes {dimension_semantics = [#tpu.dimension_semantics<arbitrary>], iteration_bounds = array<i64: 5>, scalar_prefetch = 0 : i64, scratch_operands = 0 : i64, tpu.core_type = #tpu.core_type<tc>, window_params = [{transform_indices = @transform_0, window_bounds = array<i64: 10000, 128>}, {transform_indices = @transform_1, window_bounds = array<i64: 10000, 128>}, {pipeline_mode = #tpu.pipeline_mode<synchronous>, transform_indices = @transform_2, window_bounds = array<i64: 1, 128>}, {transform_indices = @transform_3, window_bounds = array<i64: 1, 1, 10000>}]} {
    %get3A = arith.constant 0 : index
    %get3A_0 = arith.constant 0 : index
    %get3A_1 = vector.load %arg3[%get3A, %get3A_0] : memref<1x128xf32, #tpu.memory_space<vmem>>, vector<1x128xf32>
    %get3A_2 = arith.constant 0 : index
    %get3A_3 = arith.constant 0 : index
    %get3A_4 = vector.load %arg1[%get3A_2, %get3A_3] : memref<10000x128xf32, #tpu.memory_space<vmem>>, vector<10000x128xf32>
    %dot_general3A = arith.constant dense<0.000000e+00> : vector<1x10000xf32>
    %dot_general3A_5 = tpu.matmul %get3A_1, %get3A_4, %dot_general3A {dimension_numbers = #tpu.dot_dimension_numbers<[1], [1], [0], [0], [0, 0, 1, 0], [], []>, transpose_lhs_hint = false} : vector<1x128xf32>, vector<10000x128xf32>, vector<1x10000xf32> -> vector<1x10000xf32>
    %convert_element_type3A = arith.truncf %dot_general3A_5 : vector<1x10000xf32> to vector<1x10000xbf16>
    %bitcast_convert_type3A = tpu.bitcast %convert_element_type3A : vector<1x10000xbf16> -> vector<1x10000xi16>
    %convert_element_type3A_6 = arith.extui %bitcast_convert_type3A : vector<1x10000xi16> to vector<1x10000xi32>
    %get3A_7 = arith.constant 0 : index
    %get3A_8 = arith.constant 0 : index
    %get3A_9 = vector.load %arg3[%get3A_7, %get3A_8] : memref<1x128xf32, #tpu.memory_space<vmem>>, vector<1x128xf32>
    %get3A_10 = arith.constant 0 : index
    %get3A_11 = arith.constant 0 : index
    %get3A_12 = vector.load %arg2[%get3A_10, %get3A_11] : memref<10000x128xf32, #tpu.memory_space<vmem>>, vector<10000x128xf32>
    %dot_general3A_13 = arith.constant dense<0.000000e+00> : vector<1x10000xf32>
    %dot_general3A_14 = tpu.matmul %get3A_9, %get3A_12, %dot_general3A_13 {dimension_numbers = #tpu.dot_dimension_numbers<[1], [1], [0], [0], [0, 0, 1, 0], [], []>, transpose_lhs_hint = false} : vector<1x128xf32>, vector<10000x128xf32>, vector<1x10000xf32> -> vector<1x10000xf32>
    %convert_element_type3A_15 = arith.truncf %dot_general3A_14 : vector<1x10000xf32> to vector<1x10000xbf16>
    %bitcast_convert_type3A_16 = tpu.bitcast %convert_element_type3A_15 : vector<1x10000xbf16> -> vector<1x10000xi16>
    %convert_element_type3A_17 = arith.extui %bitcast_convert_type3A_16 : vector<1x10000xi16> to vector<1x10000xi32>
    %shift_left3A = arith.constant 16 : i32
    %shift_left3A_18 = vector.broadcast %shift_left3A : i32 to vector<1x10000xi32>
    %shift_left3A_19 = arith.shli %convert_element_type3A_17, %shift_left3A_18 : vector<1x10000xi32>
    %or3A = arith.ori %convert_element_type3A_6, %shift_left3A_19 : vector<1x10000xi32>
    %bitcast_convert_type3A_20 = tpu.bitcast %or3A : vector<1x10000xi32> -> vector<1x10000xi32>
    %broadcast_in_dim3A = vector.shape_cast %bitcast_convert_type3A_20 : vector<1x10000xi32> to vector<1x1x10000xi32>
    %swap3A = arith.constant 0 : index
    %swap3A_21 = arith.constant 0 : index
    %swap3A_22 = arith.constant 0 : index
    %swap3A_23 = vector.load %arg4[%swap3A, %swap3A_21, %swap3A_22] : memref<1x1x10000xi32, #tpu.memory_space<vmem>>, vector<1x1x10000xi32>
    tpu.vector_store %arg4[%swap3A, %swap3A_21, %swap3A_22], %broadcast_in_dim3A {strides = array<i32>} : memref<1x1x10000xi32, #tpu.memory_space<vmem>>, vector<1x1x10000xi32>,
    return
  }
  func.func @transform_0(%arg0: i32) -> (i32, i32) {
    %c0_i32 = arith.constant 0 : i32
    %c0_i32_0 = arith.constant 0 : i32
    return %arg0, %c0_i32 : i32, i32
  }
  func.func @transform_1(%arg0: i32) -> (i32, i32) {
    %add3A = arith.constant 5 : i32
    %add3A_0 = arith.addi %arg0, %add3A : i32
    %c0_i32 = arith.constant 0 : i32
    %c0_i32_1 = arith.constant 0 : i32
    return %add3A_0, %c0_i32 : i32, i32
  }
  func.func @transform_2(%arg0: i32) -> (i32, i32) {
    %c0_i32 = arith.constant 0 : i32
    %c0_i32_0 = arith.constant 0 : i32
    %c0_i32_1 = arith.constant 0 : i32
    return %c0_i32, %c0_i32_0 : i32, i32
  }
  func.func @transform_3(%arg0: i32) -> (i32, i32, i32) {
    %c0_i32 = arith.constant 0 : i32
    %c0_i32_0 = arith.constant 0 : i32
    %c0_i32_1 = arith.constant 0 : i32
    return %arg0, %c0_i32, %c0_i32_0 : i32, i32, i32
  }
}

</mosaic_0001>

<sc_bundles>
// kernel: kernel.4.cloned.1.call-start
scs
__scs_entry_jumppad:
0x0: {  	(pc) =	sbr.rel $0x88, $3  }
0x1: {  	(tag) =	ssettag $0x0;
	lr =	simm.s32 $0x1  }
0x2: {  	[smem:$0x3F9C] =	sst lr;
	_ =	strace $0xD0000000  }
0x3: {  	_ = 	snop  }
0x4: {  	_ = 	snop  }
0x5: {  	_ = 	snop  }
0x6: {  	_ = 	snop  }
0x7: {  	_ = 	snop  }
__scs_overlays_trampoline_lowered:
0x8: {  	[smem:$0x3FAB] =	sst s0  }
0x9: {  	[smem:$0x3FAC] =	sst s1  }
0xa: {  	[smem:$0x3FAD] =	sst s2  }
0xb: {  	[smem:$0x3FAE] =	sst s3  }
0xc: {  	[smem:$0x3FAF] =	sst s4  }
0xd: {  	[smem:$0x3FB0] =	sst s5  }
0xe: {  	[smem:$0x3FB1] =	sst s6  }
0xf: {  	[smem:$0x3FB2] =	sst s7  }
0x10: {  	[smem:$0x3FB3] =	sst s8  }
0x11: {  	[smem:$0x3FB4] =	sst s9;
	s0 =	simm.s32 @!p0 $0x0  }
0x12: {  	s1 =	sld [smem:$0x3F9A];
	s0 =	simm.s32 @p0 $0x1  }
0x13: {  	[smem:$0x3FB5] =	sst s0;
	s0 =	simm.s32 @!p1 $0x0  }
0x14: {  	s2 =	sld [smem:$0x3F99];
	s0 =	simm.s32 @p1 $0x1  }
0x15: {  	[smem:$0x3FB6] =	sst s0;
	s0 =	simm.s32 @!p2 $0x0  }
0x16: {  	s3 =	sld [smem:$0x3FDB];
	s0 =	simm.s32 @p2 $0x1  }
0x17: {  	s4 =	simm.s32 $0x1BF5;
	[smem:$0x3FB8] =	sst s0  }
0x18: {  	s0 =	sld [smem:$0x3F9B];
	_ =	swait.ge [sflag:s4], $0x0  }
0x19: {  	s7 =	sld [smem:$0x3F9C]  }
0x1a: {  	s8 =	sadd.s32 $0xFFFFE003, lr  }
0x1b: {  	s9 =	sadd.s32 $0xFFFFFEF7, lr;
	s5 =	simm.s32 $0xFFFFFFFF;
	p2 =	slt.u32 s8, $0xFFFFF086  }
0x1c: {  	p1 =	slt.u32 s9, $0xF7A;
	s5 =	simm.s32 @!p2 $0x0  }
0x1d: {  	s5 =	simm.s32 @p1 $0x1;
	p0 =	seq.s32 s7, s2  }
0x1e: {  	s7 =	smul.u32 @!p0 $0xF7A, s2;
	p2 =	seq.s32 @!p0 s5, $0x0  }
0x1f: {  	s9 =	smul.u32 $0xF7A, s1;
	s8 =	simm.s32 @!p0 $0x1BF5;
	p2 =	por !p2, p0  }
0x20: {  	[sflag:s8] =	ssyncset.s32 @!p0 $0xFFFFF086;
	s6 =	sadd.s32 @!p0 s3, s7;
	s7 =	simm.s32 @!p0 $0x108  }
0x21: {  	s3 =	sadd.s32 s3, s9;
	s6 =	sadd.s32 @!p0 $0x88, s6;
	s7 =	simm.s32 @p2 $0x1082  }
0x22: {  	[simem:s7], [sflag:s8] =	dma.local @!p0 [hbm:s6], $0xF7A  }
0x23: {  	s9 =	sor.u32 $0xD0000000, s2;
	s6 =	simm.s32 $0x108;
	_ =	swait.ge @!p0 [sflag:s8], $0x0  }
0x24: {  	s3 =	sadd.s32 $0x88, s3;
	s6 =	simm.s32 @!p1 $0x1082;
	[sflag:s4] =	ssyncset.s32 $0xFFFFF086  }
0x25: {  	[simem:s6], [sflag:s4] =	dma.local [hbm:s3], $0xF7A  }
0x26: {  	[smem:$0x3F9C] =	sst s1;
	(tag) =	ssettag s2;
	_ =	strace s9  }
0x27: {  	s1 =	sld [smem:$0x3FAC]  }
0x28: {  	s2 =	sld [smem:$0x3FAD]  }
0x29: {  	s4 =	sld [smem:$0x3FAF]  }
0x2a: {  	p0 =	seq.s32 s5, $0x0;
	s5 =	sld [smem:$0x3FB0]  }
0x2b: {  	s6 =	sld [smem:$0x3FB1]  }
0x2c: {  	s7 =	sld [smem:$0x3FB2]  }
0x2d: {  	s3 =	simm.s32 $0x108;
	s8 =	sld [smem:$0x3FB3]  }
0x2e: {  	s3 =	simm.s32 @!p0 $0x1082;
	s9 =	sld [smem:$0x3FB4]  }
0x2f: {  	lr =	sadd.s32 s0, s3;
	s0 =	sld [smem:$0x3FAB]  }
0x30: {  	s3 =	sld [smem:$0x3FAE]  }
0x31: {  	[smem:$0x3FB7] =	sst s10  }
0x32: {  	s10 =	sld [smem:$0x3FB5];
	_ =	sdelay $0x3  }
0x33: {  	p0 =	seq.s32 s10, $0x1;
	s10 =	sld [smem:$0x3FB7];
	_ =	sdelay $0x3  }
0x34: {  	[smem:$0x3FB7] =	sst s10  }
0x35: {  	s10 =	sld [smem:$0x3FB6];
	_ =	sdelay $0x3  }
0x36: {  	p1 =	seq.s32 s10, $0x1;
	s10 =	sld [smem:$0x3FB7];
	_ =	sdelay $0x3  }
0x37: {  	[smem:$0x3FB7] =	sst s10  }
0x38: {  	s10 =	sld [smem:$0x3FB8]  }
0x39: {  	_ = 	snop;
	(pc) =	sbr.ind lr, $3  }
0x3a: {  	_ = 	snop  }
0x3b: {  	_ = 	snop  }
0x3c: {  	p2 =	seq.s32 s10, $0x1;
	s10 =	sld [smem:$0x3FB7]  }
0x3d: {  	_ =	shalt  }
0x3e: {  	_ =	shalt  }
0x3f: {  	_ =	shalt  }
0x40: {  	_ =	shalt  }
0x41: {  	_ =	shalt  }
0x42: {  	_ =	shalt  }
0x43: {  	_ =	shalt  }
0x44: {  	_ =	shalt  }
0x45: {  	_ =	shalt  }
0x46: {  	_ =	shalt  }
0x47: {  	_ =	shalt  }
0x48: {  	_ =	shalt  }
0x49: {  	_ =	shalt  }
0x4a: {  	_ =	shalt  }
0x4b: {  	_ =	shalt  }
0x4c: {  	_ =	shalt  }
0x4d: {  	_ =	shalt  }
0x4e: {  	_ =	shalt  }
0x4f: {  	_ =	shalt  }
0x50: {  	_ =	shalt  }
0x51: {  	_ =	shalt  }
0x52: {  	_ =	shalt  }
0x53: {  	_ =	shalt  }
0x54: {  	_ =	shalt  }
0x55: {  	_ =	shalt  }
0x56: {  	_ =	shalt  }
0x57: {  	_ =	shalt  }
0x58: {  	_ =	shalt  }
0x59: {  	_ =	shalt  }
0x5a: {  	_ =	shalt  }
0x5b: {  	_ =	shalt  }
0x5c: {  	_ =	shalt  }
0x5d: {  	_ =	shalt  }
0x5e: {  	_ =	shalt  }
0x5f: {  	_ =	shalt  }
0x60: {  	_ =	shalt  }
0x61: {  	_ =	shalt  }
0x62: {  	_ =	shalt  }
0x63: {  	_ =	shalt  }
0x64: {  	_ =	shalt  }
0x65: {  	_ =	shalt  }
0x66: {  	_ =	shalt  }
0x67: {  	_ =	shalt  }
0x68: {  	_ =	shalt  }
0x69: {  	_ =	shalt  }
0x6a: {  	_ =	shalt  }
0x6b: {  	_ =	shalt  }
0x6c: {  	_ =	shalt  }
0x6d: {  	_ =	shalt  }
0x6e: {  	_ =	shalt  }
0x6f: {  	_ =	shalt  }
0x70: {  	_ =	shalt  }
0x71: {  	_ =	shalt  }
0x72: {  	_ =	shalt  }
0x73: {  	_ =	shalt  }
0x74: {  	_ =	shalt  }
0x75: {  	_ =	shalt  }
0x76: {  	_ =	shalt  }
0x77: {  	_ =	shalt  }
0x78: {  	_ =	shalt  }
0x79: {  	_ =	shalt  }
0x7a: {  	_ =	shalt  }
0x7b: {  	_ =	shalt  }
0x7c: {  	_ =	shalt  }
0x7d: {  	_ =	shalt  }
0x7e: {  	_ =	shalt  }
0x7f: {  	_ =	shalt  }
0x80: {  	_ =	shalt  }
0x81: {  	_ =	shalt  }
0x82: {  	_ =	shalt  }
0x83: {  	_ =	shalt  }
0x84: {  	_ =	shalt  }
0x85: {  	_ =	shalt  }
0x86: {  	_ =	shalt  }
0x87: {  	_ =	shalt  }
.Lfunc_end0:
.L_simem_size_0:
called_computation_lowered:
.L_overlay_start_0:
0x88: {  	s2 =	sld [smem:$0x3FD9]  }
0x89: {  	s3 =	sld [smem:$0x3FFE];
	_ =	sdelay $0x1  }
0x8a: {  	s1 =	srdreg.scid  }
0x8b: {  	s0 =	sand.u32 $0x1, s1  }
0x8c: {  	s17 =	sshll.u32 s0, $0xA;
	s2 =	sadd.s32 s3, s2  }
0x8d: {  	s2 =	sadd.s32 s2, s17  }
0x8e: {  	[smem:$0x3FC3] =	sst s2  }
0x8f: {  	_ = 	snop  }
0x90: {  	s2 =	sld [smem:$0x3FC9];
	(tm) =	ssettm $0x1  }
0x91: {  	s18 =	sld [smem:$0x3FFB];
	_ =	sdelay $0x3  }
0x92: {  	_ =	strace s18  }
0x93: {  	s3 =	sld [smem:$0x3FFC];
	_ =	sdelay $0x3  }
0x94: {  	_ =	strace s3  }
0x95: {  	s3 =	sld [smem:$0x3FFD];
	_ =	sdelay $0x3  }
0x96: {  	_ =	strace s3  }
0x97: {  	_ =	strace $0x8FFFFFFF  }
0x98: {  	s19 =	sld [smem:$0x3FDB];
	_ =	sdelay $0x1  }
0x99: {  	s4 =	simm.s32 $_scs_section_size  }
0x9a: {  	s5 =	simm.s32 $_size__tile_overlayer_lowered;
	s6 =	simm.s32 $_tile_overlayer_lowered  }
0x9b: {  	s22 =	simm.s32 $0x1BFF;
	s21 =	sshll.u32 s6, $0x1;
	s3 =	sadd.s32 s4, s19  }
0x9c: {  	s7 =	simm.s32 $0x0;
	s20 =	sshll.u32 s5, $0x1;
	s5 =	sadd.s32 s21, s3  }
0x9d: {  	[timem:s7], [sflag:s22] =	dma.local [hbm:s5], s20  }
0x9e: {  	_ =	swait.ge [sflag:s22], s20  }
0x9f: {  	s4 =	ssub.s32 $0x0, s20;
	[sflag:s22] =	ssyncset.done $0x0  }
0xa0: {  	[sflag:s22] =	ssyncadd.s32 s4;
	_ =	sdelay $0x1  }
0xa1: {  	s23 =	simm.s32 $0x1B8B  }
0xa2: {  	_ =	swait.ge [sflag:s23], $0x1  }
0xa3: {  	[sflag:s23] =	ssyncset.done $0x0  }
0xa4: {  	s25 =	simm.s32 $0x1B8E;
	s24 =	sld [smem:$0x3FFE];
	[sflag:s23] =	ssyncadd.s32 $0xFFFFFFFF  }
0xa5: {  	s26 =	simm.s32 $execute0_lowered;
	[smem:$0x3FD2] =	sst s25  }
0xa6: {  	s5 =	sshll.u32 s26, $0x1;
	_ =	strace $0x80000046;
	[dreg:$0x1] =	wrdreg $0xFFFFFFFF  }
0xa7: {  	s28 =	simm.s32 $_size_execute0_lowered;
	s3 =	sadd.s32 s3, s5;
	[dreg:$0x0] =	wrdreg $0x0  }
0xa8: {  	s5 =	sshll.u32 s28, $0x1;
	[dreg:$0x2] =	wrdreg s3  }
0xa9: {  	[dreg:$0x3] =	wrdreg s5  }
0xaa: {  	[dreg:$0x4] =	wrdreg $0xC0  }
0xab: {  	_ =	task [dreg:s7], $0x5FFFF  }
0xac: {  	[dreg:$0x1] =	wrdreg $0xFFFFFFFF  }
0xad: {  	[dreg:$0x0] =	wrdreg $0x60  }
0xae: {  	[dreg:$0x2] =	wrdreg s2  }
0xaf: {  	[dreg:$0x3] =	wrdreg s24  }
0xb0: {  	[dreg:$0x4] =	wrdreg $0x9  }
0xb1: {  	_ =	task.clear_ibuf [dreg:s7], $0x5FFFF;
	_ =	strace $0x90000046  }
0xb2: {  	s29 =	simm.s32 $0x9;
	_ =	strace $0x80000048  }
0xb3: {  	_ =	swait.ge [sflag:s29], $0x1  }
0xb4: {  	[sflag:s29] =	ssyncadd.s32 $0xFFFFFFFF  }
0xb5: {  	_ =	strace $0x90000048  }
0xb6: {  	_ =	sfence  }
0xb7: {  	s30 =	sld [smem:$0x0];
	_ =	sdelay $0x2  }
0xb8: {  	s31 =	sshll.u32 s1, $0xD;
	s1 =	sshrl.u32 s1, $0x2  }
0xb9: {  	s3 =	sand.u32 $0x4000, s31;
	s1 =	sadd.s32 s1, s30  }
0xba: {  	s0 =	sor.u32 s3, s0;
	s1 =	sshll.u32 s1, $0x11  }
0xbb: {  	s0 =	sor.u32 s1, s0  }
0xbc: {  	s0 =	sadd.s32 $0x8F2B, s0  }
0xbd: {  	[sflag:s0] =	ssyncadd.remote.s32 $0x1  }
0xbe: {  	_ =	sfence.sel $0xFFFF  }
0xbf: {  	[dreg:$0x0] =	wrdreg $0xFFFFFFFF;
	(pc) =	sbr.abs _section_cstart, $3  }
0xc0: {  	[dreg:$0x1] =	wrdreg $0xFFFFFFFF  }
0xc1: {  	_ =	task.clear_ibuf [dreg:s7], $0x2FFFF;
	_ =	strace $0x9FFFFFFF  }
0xc2: {  	(tm) =	ssettm $0x7FFFFFFF  }
0xc3: {  	_ =	shalt  }
tec
execute0_lowered:
.L_overlay_start_1:
0x0: {  	(tag) =	ssettag $0x1  }
0x1: {  	s0 =	rddreg [dreg:$0x0]  }
0x2: {  	s2 =	rddreg [dreg:$0x1];
	s1 =	simm.s32 $0x0;
	s4 =	srdreg.scid  }
0x3: {  	s19 =	stileid.u32;
	s20 =	simm.s32 $0x10380;
	s21 =	simm.s32 $0x80  }
0x4: {  	s28 =	simm.s32 $0x3;
	s29 =	simm.s32 $0x2;
	s30 =	simm.s32 $0x0  }
0x5: {  	[smem:$0x7FF] =	sst s1;
	s12 =	sadd.s32 $0x800, s2;
	s3 =	sadd.s32 $0x7800, s2  }
0x6: {  	s5 =	sand.u32 $0x1, s4;
	s4 =	sadd.s32 $0x9200, s2;
	s7 =	sshll.u32 s19, $0x1  }
0x7: {  	s14 =	sadd.s32 $0x9400, s2;
	s11 =	sshrl.u32 s19, $0x2;
	p0 =	sgt.u32 s19, $0x8  }
0x8: {  	s19 =	simm.s32 $0x9C40;
	_ =	strace $0x80000047;
	s6 =	ssub.s32 $0x2, s5  }
0x9: {  	s5 =	sor.u32 s5, s7;
	s22 =	sshll.u32 s11, $0xF;
	s7 =	sadd.s32 $0x86D0, s2  }
0xa: {  	s25 =	sshll.u32 s11, $0xA;
	s8 =	sshrl.u32 s6, $0x1;
	s10 =	sshll.u32 s5, $0x7  }
0xb: {  	s13 =	sor.u32 $0x20, s5;
	s5 =	sadd.s32 $0x7CF0, s2;
	s15 =	ssub.s32 s6, s8  }
0xc: {  	s16 =	sand.u32 $0x380, s10;
	s6 =	sadd.s32 $0x81E0, s2;
	s18 =	sshll.u32 s13, $0xC  }
0xd: {  	s8 =	sadd.s32 $0x8BC0, s2;
	s13 =	sshll.u32 s13, $0x7;
	s23 =	sor.u32 s22, s16  }
0xe: {  	s24 =	sor.u32 s10, s18;
	s13 =	sand.u32 $0x1C00, s13;
	s26 =	sor.u32 s25, s16  }
0xf: {  	s15 =	smax.u32 s15, $0x1;
	s18 =	simm.s32 $0x7530;
	s22 =	simm.s32 $0x400  }
0x10: {  	s25 =	simm.s32 $0x1;
	s17 =	sshrl.u32 s23, $0x3;
	s2 =	sand.u32 $0x38380, s24  }
.Ltmp0:
0x11: {  	s13 =	sor.u32 s16, s13;
	s23 =	simm.s32 $0xC380;
	(pc) =	sbr.rel .LBB2_1-.Ltmp0, $4  }
0x12: {  	s24 =	simm.s32 $0xD380;
	s9 =	sadd.s32 s0, s17;
	s10 =	sadd.s32 s12, s17  }
0x13: {  	s2 =	sshrl.u32 s2, $0x3;
	s31 =	sshrl.u32 s13, $0x3;
	s17 =	simm.s32 $0x4E20  }
0x14: {  	s11 =	sadd.s32 s0, s2;
	s12 =	sadd.s32 s12, s2;
	s0 =	sshrl.u32 s26, $0x3  }
0x15: {  	s26 =	simm.s32 $0x10400;
	s13 =	sadd.s32 s14, s0;
	s14 =	sadd.s32 s14, s31  }
.LBB2_6:
0x16: {  	_ = 	snop  }
0x17: {  	v10 =	vsel vm1, v10, v12  }
0x18: {  	vm4 =	vmmov vm4;
	v9 =	vadd.f32 v11, v9;
	vm6 =	vmmov vm3  }
0x19: {  	v41 =	vld [tilespmem:s0+$0xF380];
	vm10 =	vgt.s32 v2, $0xC34F;
	v42 =	vadd.s32 $0xFFFF3CB0, v2;
	vm7 =	vmmov vm2  }
0x1a: {  	v8 =	vld.idx.msk [tilespmem:v8+s1+$0x0], $0xffff;
	vm11 =	vgt.s32 v1, $0xC34F;
	vm12 =	vgt.s32 v5, $0xC34F;
	v13 =	vadd.s32 $0xFFFF3CB0, v5  }
0x1b: {  	v3 =	vld.idx.msk [tilespmem:v3+s1+$0x0], $0xffff;
	vm5 =	vgt.s32 v0, $0xC34F;
	v45 =	vadd.s32 $0xFFFF3CB0, v0;
	v5 =	vsel vm12, v13, v5  }
0x1c: {  	v43 =	vadd.s32 $0xFFFF3CB0, v1;
	v14 =	vld [tilespmem:s0+$0xF390];
	v4 =	vmul.f32 v10, v4;
	v0 =	vsel vm5, v45, v0  }
0x1d: {  	v15 =	vand.u32 $0xFFFF0000, v7;
	v44 =	vshll.u32 v7, $0x10;
	v6 =	vld.idx.msk [tilespmem:v6+s1+$0x0], $0xffff;
	vm0 =	vmmov vm0  }
0x1e: {  	v46 =	vld [tilespmem:s0+$0xF3A0];
	v7 =	vsel vm6, v15, v44;
	v1 =	vsel vm11, v43, v1;
	v4 =	vadd.f32 v4, v9  }
0x1f: {  	v48 =	vld [tilespmem:s0+$0xF3B0];
	v7 =	vmul.f32 v7, v41;
	v47 =	vand.u32 $0xFFFF0000, v8;
	v8 =	vshll.u32 v8, $0x10  }
0x20: {  	v2 =	vsel vm10, v42, v2;
	v49 =	vand.u32 $0xFFFF0000, v3;
	v8 =	vsel vm7, v47, v8;
	v5 =	vld.idx.msk [tilespmem:v5+s1+$0x0], $0xffff  }
0x21: {  	v3 =	vshll.u32 v3, $0x10;
	v0 =	vld.idx.msk [tilespmem:v0+s1+$0x0], $0xffff;
	v4 =	vadd.f32 v7, v4;
	v50 =	vmul.f32 v8, v14  }
0x22: {  	v52 =	vld [tilespmem:s2+$0xF380];
	v51 =	vand.u32 $0xFFFF0000, v6;
	v6 =	vshll.u32 v6, $0x10;
	v3 =	vsel vm4, v49, v3  }
0x23: {  	v6 =	vsel vm0, v51, v6;
	v1 =	vld.idx.msk [tilespmem:v1+s1+$0x0], $0xffff;
	v3 =	vmul.f32 v3, v46;
	v4 =	vadd.f32 v50, v4  }
0x24: {  	v54 =	vld [tilespmem:s2+$0xF390];
	vm13 =	vmmov vm12;
	v53 =	vmul.f32 v6, v48  }
0x25: {  	v2 =	vld.idx.msk [tilespmem:v2+s1+$0x0], $0xffff;
	v3 =	vadd.f32 v3, v4;
	v55 =	vand.u32 $0xFFFF0000, v5;
	v5 =	vshll.u32 v5, $0x10  }
0x26: {  	v57 =	vld [tilespmem:s2+$0xF3A0];
	vm14 =	vmmov vm5;
	v58 =	vand.u32 $0xFFFF0000, v0;
	v56 =	vsel vm13, v55, v5  }
0x27: {  	v0 =	vshll.u32 v0, $0x10;
	v3 =	vadd.f32 v53, v3;
	v4 =	vmul.f32 v56, v52  }
0x28: {  	v59 =	vld [tilespmem:s2+$0xF3B0];
	vm15 =	vmmov vm11;
	v60 =	vand.u32 $0xFFFF0000, v1;
	v0 =	vsel vm14, v58, v0  }
0x29: {  	v1 =	vshll.u32 v1, $0x10;
	v0 =	vmul.f32 v0, v54;
	v3 =	vadd.f32 v4, v3  }
0x2a: {  	vm1 =	vmmov vm10;
	v61 =	vand.u32 $0xFFFF0000, v2;
	v1 =	vsel vm15, v60, v1  }
0x2b: {  	v2 =	vshll.u32 v2, $0x10;
	v1 =	vmul.f32 v1, v57;
	v0 =	vadd.f32 v0, v3  }
0x2c: {  	v2 =	vsel vm1, v61, v2  }
0x2d: {  	v62 =	vmul.f32 v2, v59;
	v0 =	vadd.f32 v1, v0;
	_ =	sdelay $0x1  }
0x2e: {  	v0 =	vadd.f32 v62, v0;
	_ =	sdelay $0x1  }
0x2f: {  	(xrf2) =	vadd.scan.msk.f32 $0xffff, v0;
	_ =	sdelay $0x9  }
0x30: {  	v0, _, _ =	vpop (xrf2)  }
0x31: {  	(v2sf) =	vpush v0, $0xF;
	_ =	sdelay $0xe  }
0x32: {  	s16 =	spop (v2sf)  }
0x33: {  	s0 =	smul.f32 $2.441406250e-04, s16;
	_ =	sdelay $0x1  }
0x34: {  	s0 =	sadd.f32 s0, s31;
	_ =	sdelay $0x1  }
0x35: {  	v63 =	vmov s0  }
0x36: {  	v0 =	vsub.f32 $0.0e+00, v63;
	_ =	sdelay $0x1  }
0x37: {  	v0 =	vmul.f32 $1.442695020e+00, v0;
	_ =	sdelay $0x1  }
0x38: {  	v0 =	vbroadcast v0, $0x0;
	_ =	sdelay $0x1  }
0x39: {  	(erf) = vpow2.f32 v0;
	_ =	sdelay $0x8  }
0x3a: {  	v0 =	vpop (erf)  }
0x3b: {  	v0 =	vadd.f32 $1.000000000e+00, v0;
	_ =	sdelay $0x1  }
0x3c: {  	(erf) = vrcp.f32 v0;
	_ =	sdelay $0x8  }
0x3d: {  	v0 =	vpop (erf)  }
0x3e: {  	[tilespmem:$0x10400] =	vst v0  }
0x3f: {  	[hbm4b:s14+s1] =	stream.linear.scatter [tilespmem:s26], [sflag:$0x3], $0x80, $0x38;
	[tilespmem:$0x10480] =	vst v63  }
0x40: {  	_ =	swait.ge [sflag:s28], $0x80  }
0x41: {  	[sflag:s28] =	ssyncset.done $0x0  }
0x42: {  	[sflag:s28] =	ssyncadd.s32 $0xFFFFFF80  }
.LBB2_7:
0x43: {  	s30 =	sadd.s32 $0x1, s30  }
0x44: {  	p1 =	sne.s32 s30, s15  }
.Ltmp1:
0x45: {  	_ = 	snop;
	(pc) =	sbr.rel @!p1 .LBB2_8-.Ltmp1, $1  }
0x46: {  	_ =	sdelay $0x3  }
.LBB2_1:
0x47: {  	[tilespmem:s1], [sflag:$0x1] =	stream.linear.gather [hbm4b:s3+s1], $0x2710, $0x38;
	[tilespmem:$0x10480] =	vst v63  }
0x48: {  	s0 =	simm.s32 $0x2710  }
0x49: {  	[tilespmem:s0], [sflag:$0x1] =	stream.linear.gather [hbm4b:s5+s1], $0x2710, $0x38;
	[tilespmem:$0x10480] =	vst v63  }
0x4a: {  	_ = 	snop  }
0x4b: {  	[tilespmem:s17], [sflag:$0x1] =	stream.linear.gather [hbm4b:s6+s1], $0x2710, $0x38;
	[tilespmem:$0x10480] =	vst v63  }
0x4c: {  	_ = 	snop  }
0x4d: {  	[tilespmem:s18], [sflag:$0x1] =	stream.linear.gather [hbm4b:s7+s1], $0x2710, $0x38;
	[tilespmem:$0x10480] =	vst v63  }
0x4e: {  	_ = 	snop  }
0x4f: {  	[tilespmem:s19], [sflag:$0x1] =	stream.linear.gather [hbm4b:s8+s1], $0x2710, $0x38;
	[tilespmem:$0x10480] =	vst v63  }
0x50: {  	_ = 	snop  }
0x51: {  	[tilespmem:s20], [sflag:$0x1] =	stream.linear.gather [hbm4b:s4+s1], $0x80, $0x38;
	[tilespmem:$0x10480] =	vst v63  }
0x52: {  	_ = 	snop  }
0x53: {  	[tilespmem:s23], [sflag:$0x1] =	stream.strided.gather [hbm4b:s9+s21], $0x1000, s22, s21, $0x38;
	[tilespmem:$0x10480] =	vst v63  }
0x54: {  	_ = 	snop  }
0x55: {  	[tilespmem:s24], [sflag:$0x1] =	stream.strided.gather [hbm4b:s10+s21], $0x1000, s22, s21, $0x38;
	[tilespmem:$0x10480] =	vst v63  }
0x56: {  	s2 =	simm.s32 @!p0 $0x400;
	s16 =	simm.s32 @!p0 $0xE380;
	s0 =	simm.s32 @!p0 $0x80  }
0x57: {  	[tilespmem:s16], [sflag:$0x2] =	stream.strided.gather @!p0 [hbm4b:s11+s0], $0x1000, s2, s0, $0x38;
	[tilespmem:$0x10480] =	vst v63  }
0x58: {  	s16 =	simm.s32 @!p0 $0xF380  }
0x59: {  	[tilespmem:s16], [sflag:$0x2] =	stream.strided.gather @!p0 [hbm4b:s12+s0], $0x1000, s2, s0, $0x38;
	[tilespmem:$0x10480] =	vst v63  }
0x5a: {  	_ =	swait.ge [sflag:s25], $0x2710  }
0x5b: {  	[sflag:s25] =	ssyncset.done $0x0  }
0x5c: {  	[sflag:s25] =	ssyncadd.s32 $0xFFFFD8F0  }
0x5d: {  	_ =	swait.ge [sflag:s25], $0x2710  }
0x5e: {  	[sflag:s25] =	ssyncset.done $0x0  }
0x5f: {  	[sflag:s25] =	ssyncadd.s32 $0xFFFFD8F0  }
0x60: {  	_ =	swait.ge [sflag:s25], $0x2710  }
0x61: {  	[sflag:s25] =	ssyncset.done $0x0  }
0x62: {  	[sflag:s25] =	ssyncadd.s32 $0xFFFFD8F0  }
0x63: {  	_ =	swait.ge [sflag:s25], $0x2710  }
0x64: {  	[sflag:s25] =	ssyncset.done $0x0  }
0x65: {  	[sflag:s25] =	ssyncadd.s32 $0xFFFFD8F0  }
0x66: {  	_ =	swait.ge [sflag:s25], $0x2710  }
0x67: {  	[sflag:s25] =	ssyncset.done $0x0  }
0x68: {  	[sflag:s25] =	ssyncadd.s32 $0xFFFFD8F0  }
0x69: {  	_ =	swait.ge [sflag:s25], $0x80  }
0x6a: {  	[sflag:s25] =	ssyncset.done $0x0  }
0x6b: {  	[sflag:s25] =	ssyncadd.s32 $0xFFFFFF80  }
0x6c: {  	_ =	swait.ge [sflag:s25], $0x1000  }
0x6d: {  	[sflag:s25] =	ssyncset.done $0x0  }
0x6e: {  	[sflag:s25] =	ssyncadd.s32 $0xFFFFF000  }
0x6f: {  	_ =	swait.ge [sflag:s25], $0x1000  }
0x70: {  	[sflag:s25] =	ssyncset.done $0x0  }
0x71: {  	s16 =	simm.s32 $0x0;
	[sflag:s25] =	ssyncadd.s32 $0xFFFFF000  }
0x72: {  	v1 =	vld [tilespmem:s16+$0xC380];
	_ =	sdelay $0x1  }
0x73: {  	v2 =	vld [tilespmem:s16+$0xC390]  }
0x74: {  	v3 =	vld [tilespmem:s16+$0xC3A0]  }
0x75: {  	v4 =	vld [tilespmem:s16+$0xC3B0]  }
0x76: {  	s31 =	simm.s32 $0x40;
	v0 =	vld [tilespmem:$0x10380];
	vm0 =	vgt.s32 v1, $0xC34F;
	v5 =	vadd.s32 $0xFFFF3CB0, v1  }
0x77: {  	v7 =	vld [tilespmem:s31+$0xC3B0];
	v1 =	vsel vm0, v5, v1  }
0x78: {  	v8 =	vld [tilespmem:s31+$0xC3A0];
	vm2 =	vgt.s32 v2, $0xC34F;
	v5 =	vadd.s32 $0xFFFF3CB0, v2  }
0x79: {  	v9 =	vld [tilespmem:s31+$0xC380];
	vm3 =	vgt.s32 v3, $0xC34F;
	v6 =	vadd.s32 $0xFFFF3CB0, v3;
	v2 =	vsel vm2, v5, v2  }
0x7a: {  	v10 =	vld [tilespmem:s16+$0xD380];
	v3 =	vsel vm3, v6, v3  }
0x7b: {  	vm1 =	vgt.s32 v4, $0xC34F;
	v6 =	vld [tilespmem:s31+$0xC390];
	v5 =	vadd.s32 $0xFFFF3CB0, v4  }
0x7c: {  	v4 =	vsel vm1, v5, v4;
	v1 =	vld.idx.msk [tilespmem:v1+s1+$0x0], $0xffff  }
0x7d: {  	v11 =	vimm.f32 $0.0e+00;
	v14 =	vld [tilespmem:s16+$0xD390];
	v12 =	vadd.s32 $0xFFFF3CB0, v7;
	vm4 =	vgt.s32 v8, $0xC34F  }
0x7e: {  	vm5 =	vmmov vm3;
	vm6 =	vmmov vm0;
	vm0 =	vgt.s32 v7, $0xC34F;
	v2 =	vld.idx.msk [tilespmem:v2+s1+$0x0], $0xffff  }
0x7f: {  	vm7 =	vmmov vm2;
	vm3 =	vgt.s32 v9, $0xC34F;
	v7 =	vsel vm0, v12, v7;
	v13 =	vld.idx.msk [tilespmem:v3+s1+$0x0], $0xffff  }
0x80: {  	v63 =	vld [tilespmem:s16+$0xD3A0];
	v3 =	vadd.s32 $0xFFFF3CB0, v8;
	vm2 =	vgt.s32 v6, $0xC34F;
	v15 =	vadd.s32 $0xFFFF3CB0, v6  }
0x81: {  	v16 =	vld.idx.msk [tilespmem:v4+s1+$0x0], $0xffff;
	v4 =	vadd.s32 $0xFFFF3CB0, v9;
	v17 =	vand.u32 $0xFFFF0000, v1;
	v1 =	vshll.u32 v1, $0x10  }
0x82: {  	s0 =	simm.s32 $0x80;
	v5 =	vld [tilespmem:s16+$0xD3B0];
	v18 =	vsel vm3, v4, v9;
	v4 =	vsel vm4, v3, v8;
	v1 =	vsel vm6, v17, v1  }
0x83: {  	v3 =	vld [tilespmem:s0+$0xC3B0];
	v8 =	vmul.f32 v1, v10;
	v1 =	vand.u32 $0xFFFF0000, v2;
	v10 =	vshll.u32 v2, $0x10  }
0x84: {  	v9 =	vsel vm2, v15, v6;
	v2 =	vld [tilespmem:s0+$0xC3A0];
	v6 =	vsel vm7, v1, v10;
	v10 =	vand.u32 $0xFFFF0000, v13  }
0x85: {  	v1 =	vld [tilespmem:s0+$0xC390];
	v15 =	vadd.f32 v8, v11;
	v14 =	vmul.f32 v6, v14;
	v8 =	vshll.u32 v13, $0x10  }
0x86: {  	vm1 =	vmmov vm1;
	v6 =	vld [tilespmem:s0+$0xC380];
	v11 =	vand.u32 $0xFFFF0000, v16;
	v12 =	vsel vm5, v10, v8  }
0x87: {  	s2 =	simm.s32 $0x300;
	v13 =	vshll.u32 v16, $0x10;
	v8 =	vld.idx.msk [tilespmem:v18+s1+$0x0], $0xffff;
	v10 =	vadd.f32 v14, v15;
	v12 =	vmul.f32 v12, v63  }
.LBB2_2:
0x88: {  	p1 =	sne.s32 s2, $0x3F00;
	v14 =	vld [tilespmem:s31+$0xD380];
	v11 =	vsel vm1, v11, v13;
	v13 =	vmovc v3;
	vm1 =	vmmov vm0;
	vm5 =	vmmov vm4  }
0x89: {  	vm6 =	vmmov vm3;
	v9 =	vld.idx.msk [tilespmem:v9+s1+$0x0], $0xffff;
	v3 =	vadd.f32 v12, v10;
	v5 =	vmul.f32 v11, v5  }
0x8a: {  	vm7 =	vmmov vm2;
	vm0 =	vgt.s32 v13, $0xC34F;
	v10 =	vadd.s32 $0xFFFF3CB0, v13;
	v11 =	vld.idx.msk [tilespmem:v4+s1+$0x0], $0xffff  }
0x8b: {  	vm4 =	vgt.s32 v2, $0xC34F;
	v4 =	vadd.s32 $0xFFFF3CB0, v2;
	v12 =	vld [tilespmem:s31+$0xD390];
	v15 =	vadd.f32 v5, v3  }
0x8c: {  	vm2 =	vgt.s32 v1, $0xC34F;
	v16 =	vadd.s32 $0xFFFF3CB0, v1;
	vm3 =	vgt.s32 v6, $0xC34F;
	v17 =	vld.idx.msk [tilespmem:v7+s1+$0x0], $0xffff  }
0x8d: {  	v3 =	vadd.s32 $0xFFFF3CB0, v6;
	v7 =	vand.u32 $0xFFFF0000, v8;
	v8 =	vshll.u32 v8, $0x10;
	v5 =	vld [tilespmem:s31+$0xD3B0]  }
0x8e: {  	v4 =	vsel vm4, v4, v2;
	v18 =	vsel vm3, v3, v6;
	v2 =	vsel vm6, v7, v8;
	v19 =	vld [tilespmem:s31+$0xD3A0];
	s31 =	smov.u32 s0;
	s0 =	sshra.s32 s2, $0x2  }
.Ltmp2:
0x8f: {  	v6 =	vmul.f32 v2, v14;
	v7 =	vand.u32 $0xFFFF0000, v9;
	v8 =	vshll.u32 v9, $0x10;
	v3 =	vld [tilespmem:s0+$0xC3B0];
	(pc) =	sbr.rel @p1 .LBB2_2-.Ltmp2, $4  }
0x90: {  	v9 =	vsel vm2, v16, v1;
	v7 =	vsel vm7, v7, v8;
	v8 =	vand.u32 $0xFFFF0000, v11;
	v2 =	vld [tilespmem:s0+$0xC3A0]  }
0x91: {  	v11 =	vshll.u32 v11, $0x10;
	v14 =	vadd.f32 v6, v15;
	v12 =	vmul.f32 v7, v12;
	v1 =	vld [tilespmem:s0+$0xC390]  }
0x92: {  	v7 =	vsel vm0, v10, v13;
	v13 =	vsel vm5, v8, v11;
	v11 =	vand.u32 $0xFFFF0000, v17;
	v6 =	vld [tilespmem:s0+$0xC380]  }
0x93: {  	s2 =	sadd.s32 $0x100, s2;
	v10 =	vadd.f32 v12, v14;
	v8 =	vld.idx.msk [tilespmem:v18+s1+$0x0], $0xffff;
	v12 =	vmul.f32 v13, v19;
	v13 =	vshll.u32 v17, $0x10  }
0x94: {  	_ = 	snop  }
0x95: {  	v11 =	vsel vm1, v11, v13  }
0x96: {  	vm4 =	vmmov vm4;
	vm6 =	vmmov vm3;
	vm10 =	vgt.s32 v3, $0xC34F  }
0x97: {  	v40 =	vld [tilespmem:s31+$0xD380];
	v41 =	vadd.s32 $0xFFFF3CB0, v3;
	vm7 =	vmmov vm2;
	vm0 =	vmmov vm0  }
0x98: {  	v9 =	vld.idx.msk [tilespmem:v9+s1+$0x0], $0xffff;
	v10 =	vadd.f32 v12, v10;
	vm12 =	vgt.s32 v6, $0xC34F;
	v14 =	vadd.s32 $0xFFFF3CB0, v6  }
0x99: {  	v4 =	vld.idx.msk [tilespmem:v4+s1+$0x0], $0xffff;
	vm5 =	vgt.s32 v1, $0xC34F;
	v44 =	vadd.s32 $0xFFFF3CB0, v1;
	v6 =	vsel vm12, v14, v6  }
0x9a: {  	v15 =	vld [tilespmem:s31+$0xD390];
	v5 =	vmul.f32 v11, v5;
	vm11 =	vgt.s32 v2, $0xC34F;
	v1 =	vsel vm5, v44, v1  }
0x9b: {  	v7 =	vld.idx.msk [tilespmem:v7+s1+$0x0], $0xffff;
	v42 =	vadd.s32 $0xFFFF3CB0, v2;
	v16 =	vand.u32 $0xFFFF0000, v8;
	v43 =	vshll.u32 v8, $0x10  }
0x9c: {  	v45 =	vld [tilespmem:s31+$0xD3A0];
	v2 =	vsel vm11, v42, v2;
	v5 =	vadd.f32 v5, v10;
	v8 =	vsel vm6, v16, v43  }
0x9d: {  	v47 =	vld [tilespmem:s31+$0xD3B0];
	v46 =	vand.u32 $0xFFFF0000, v9;
	v9 =	vshll.u32 v9, $0x10;
	v8 =	vmul.f32 v8, v40  }
0x9e: {  	v3 =	vsel vm10, v41, v3;
	v48 =	vand.u32 $0xFFFF0000, v4;
	v9 =	vsel vm7, v46, v9;
	v6 =	vld.idx.msk [tilespmem:v6+s1+$0x0], $0xffff  }
0x9f: {  	v4 =	vshll.u32 v4, $0x10;
	v49 =	vmul.f32 v9, v15;
	v5 =	vadd.f32 v8, v5;
	v1 =	vld.idx.msk [tilespmem:v1+s1+$0x0], $0xffff  }
0xa0: {  	v51 =	vld [tilespmem:s0+$0xD380];
	v50 =	vand.u32 $0xFFFF0000, v7;
	v7 =	vshll.u32 v7, $0x10;
	v4 =	vsel vm4, v48, v4  }
0xa1: {  	v7 =	vsel vm0, v50, v7;
	v4 =	vmul.f32 v4, v45;
	v2 =	vld.idx.msk [tilespmem:v2+s1+$0x0], $0xffff;
	v5 =	vadd.f32 v49, v5  }
0xa2: {  	v53 =	vld [tilespmem:s0+$0xD390];
	vm13 =	vmmov vm12;
	v52 =	vmul.f32 v7, v47  }
0xa3: {  	v3 =	vld.idx.msk [tilespmem:v3+s1+$0x0], $0xffff;
	v4 =	vadd.f32 v4, v5;
	v54 =	vand.u32 $0xFFFF0000, v6;
	v6 =	vshll.u32 v6, $0x10  }
0xa4: {  	v56 =	vld [tilespmem:s0+$0xD3A0];
	vm14 =	vmmov vm5;
	v57 =	vand.u32 $0xFFFF0000, v1;
	v55 =	vsel vm13, v54, v6  }
0xa5: {  	v1 =	vshll.u32 v1, $0x10;
	v4 =	vadd.f32 v52, v4;
	v5 =	vmul.f32 v55, v51  }
0xa6: {  	v58 =	vld [tilespmem:s0+$0xD3B0];
	vm15 =	vmmov vm11;
	v59 =	vand.u32 $0xFFFF0000, v2;
	v1 =	vsel vm14, v57, v1  }
0xa7: {  	v2 =	vshll.u32 v2, $0x10;
	v1 =	vmul.f32 v1, v53;
	v4 =	vadd.f32 v5, v4  }
0xa8: {  	vm1 =	vmmov vm10;
	v60 =	vand.u32 $0xFFFF0000, v3;
	v2 =	vsel vm15, v59, v2  }
0xa9: {  	v3 =	vshll.u32 v3, $0x10;
	v2 =	vmul.f32 v2, v56;
	v1 =	vadd.f32 v1, v4  }
0xaa: {  	v3 =	vsel vm1, v60, v3  }
0xab: {  	v61 =	vmul.f32 v3, v58;
	v1 =	vadd.f32 v2, v1;
	_ =	sdelay $0x1  }
0xac: {  	v1 =	vadd.f32 v61, v1;
	_ =	sdelay $0x1  }
0xad: {  	(xrf2) =	vadd.scan.msk.f32 $0xffff, v1;
	_ =	sdelay $0x9  }
0xae: {  	(v2sf) =	vpush v0, $0x0;
	v62, _, _ =	vpop (xrf2)  }
0xaf: {  	(v2sf) =	vpush v62, $0xF;
	_ =	sdelay $0xd  }
0xb0: {  	s31 =	spop (v2sf)  }
0xb1: {  	s16 =	spop (v2sf)  }
0xb2: {  	s0 =	smul.f32 $2.441406250e-04, s16;
	_ =	sdelay $0x1  }
0xb3: {  	s0 =	sadd.f32 s0, s31;
	_ =	sdelay $0x1  }
0xb4: {  	v63 =	vmov s0  }
0xb5: {  	v0 =	vsub.f32 $0.0e+00, v63;
	_ =	sdelay $0x1  }
0xb6: {  	v0 =	vmul.f32 $1.442695020e+00, v0;
	_ =	sdelay $0x1  }
0xb7: {  	v0 =	vbroadcast v0, $0x0;
	_ =	sdelay $0x1  }
0xb8: {  	(erf) = vpow2.f32 v0;
	_ =	sdelay $0x8  }
0xb9: {  	v0 =	vpop (erf)  }
0xba: {  	v0 =	vadd.f32 $1.000000000e+00, v0;
	_ =	sdelay $0x1  }
0xbb: {  	(erf) = vrcp.f32 v0;
	_ =	sdelay $0x8  }
0xbc: {  	v0 =	vpop (erf)  }
.Ltmp3:
0xbd: {  	[tilespmem:$0x10400] =	vst v0;
	(pc) =	sbr.rel @p0 .LBB2_7-.Ltmp3, $4  }
0xbe: {  	[hbm4b:s13+s1] =	stream.linear.scatter [tilespmem:s26], [sflag:$0x3], $0x80, $0x38;
	[tilespmem:$0x10480] =	vst v63  }
0xbf: {  	_ =	swait.ge [sflag:s28], $0x80  }
0xc0: {  	[sflag:s28] =	ssyncset.done $0x0  }
0xc1: {  	[sflag:s28] =	ssyncadd.s32 $0xFFFFFF80  }
0xc2: {  	_ =	swait.ge [sflag:s29], $0x1000  }
0xc3: {  	[sflag:s29] =	ssyncset.done $0x0  }
0xc4: {  	[sflag:s29] =	ssyncadd.s32 $0xFFFFF000  }
0xc5: {  	_ =	swait.ge [sflag:s29], $0x1000  }
0xc6: {  	[sflag:s29] =	ssyncset.done $0x0  }
0xc7: {  	s16 =	simm.s32 $0x0;
	[sflag:s29] =	ssyncadd.s32 $0xFFFFF000  }
0xc8: {  	v0 =	vld [tilespmem:s16+$0xE380];
	_ =	sdelay $0x1  }
0xc9: {  	v1 =	vld [tilespmem:s16+$0xE390]  }
0xca: {  	v2 =	vld [tilespmem:s16+$0xE3A0];
	_ =	sdelay $0x1  }
0xcb: {  	s0 =	simm.s32 $0x40;
	v3 =	vld [tilespmem:s16+$0xE3B0];
	vm0 =	vgt.s32 v0, $0xC34F;
	v4 =	vadd.s32 $0xFFFF3CB0, v0  }
0xcc: {  	v6 =	vld [tilespmem:s0+$0xE3B0];
	v0 =	vsel vm0, v4, v0  }
0xcd: {  	v7 =	vld [tilespmem:s0+$0xE3A0];
	vm2 =	vgt.s32 v1, $0xC34F;
	v4 =	vadd.s32 $0xFFFF3CB0, v1  }
0xce: {  	v8 =	vld [tilespmem:s0+$0xE380];
	vm3 =	vgt.s32 v2, $0xC34F;
	v5 =	vadd.s32 $0xFFFF3CB0, v2;
	v1 =	vsel vm2, v4, v1  }
0xcf: {  	v9 =	vld [tilespmem:s16+$0xF380];
	v2 =	vsel vm3, v5, v2  }
0xd0: {  	vm1 =	vgt.s32 v3, $0xC34F;
	v5 =	vld [tilespmem:s0+$0xE390];
	v4 =	vadd.s32 $0xFFFF3CB0, v3  }
0xd1: {  	v3 =	vsel vm1, v4, v3;
	v0 =	vld.idx.msk [tilespmem:v0+s1+$0x0], $0xffff  }
0xd2: {  	v10 =	vimm.f32 $0.0e+00;
	v13 =	vld [tilespmem:s16+$0xF390];
	v11 =	vadd.s32 $0xFFFF3CB0, v6;
	vm4 =	vgt.s32 v7, $0xC34F  }
0xd3: {  	vm5 =	vmmov vm3;
	vm6 =	vmmov vm0;
	vm0 =	vgt.s32 v6, $0xC34F;
	v1 =	vld.idx.msk [tilespmem:v1+s1+$0x0], $0xffff  }
0xd4: {  	vm7 =	vmmov vm2;
	vm3 =	vgt.s32 v8, $0xC34F;
	v6 =	vsel vm0, v11, v6;
	v12 =	vld.idx.msk [tilespmem:v2+s1+$0x0], $0xffff  }
0xd5: {  	v63 =	vld [tilespmem:s16+$0xF3A0];
	v2 =	vadd.s32 $0xFFFF3CB0, v7;
	vm2 =	vgt.s32 v5, $0xC34F;
	v14 =	vadd.s32 $0xFFFF3CB0, v5  }
0xd6: {  	v15 =	vld.idx.msk [tilespmem:v3+s1+$0x0], $0xffff;
	v3 =	vadd.s32 $0xFFFF3CB0, v8;
	v16 =	vand.u32 $0xFFFF0000, v0;
	v0 =	vshll.u32 v0, $0x10  }
0xd7: {  	s2 =	simm.s32 $0x80;
	v4 =	vld [tilespmem:s16+$0xF3B0];
	v17 =	vsel vm3, v3, v8;
	v3 =	vsel vm4, v2, v7;
	v0 =	vsel vm6, v16, v0  }
0xd8: {  	v2 =	vld [tilespmem:s2+$0xE3B0];
	v7 =	vmul.f32 v0, v9;
	v0 =	vand.u32 $0xFFFF0000, v1;
	v9 =	vshll.u32 v1, $0x10  }
0xd9: {  	v8 =	vsel vm2, v14, v5;
	v1 =	vld [tilespmem:s2+$0xE3A0];
	v5 =	vsel vm7, v0, v9;
	v9 =	vand.u32 $0xFFFF0000, v12  }
0xda: {  	v0 =	vld [tilespmem:s2+$0xE390];
	v14 =	vadd.f32 v7, v10;
	v13 =	vmul.f32 v5, v13;
	v7 =	vshll.u32 v12, $0x10  }
0xdb: {  	vm1 =	vmmov vm1;
	v5 =	vld [tilespmem:s2+$0xE380];
	v10 =	vand.u32 $0xFFFF0000, v15;
	v11 =	vsel vm5, v9, v7  }
0xdc: {  	s16 =	simm.s32 $0x300;
	v12 =	vshll.u32 v15, $0x10;
	v7 =	vld.idx.msk [tilespmem:v17+s1+$0x0], $0xffff;
	v9 =	vadd.f32 v13, v14;
	v11 =	vmul.f32 v11, v63  }
.LBB2_5:
0xdd: {  	p1 =	sne.s32 s16, $0x3F00;
	v13 =	vld [tilespmem:s0+$0xF380];
	v10 =	vsel vm1, v10, v12;
	v12 =	vmovc v2;
	vm1 =	vmmov vm0;
	vm5 =	vmmov vm4  }
0xde: {  	v2 =	vadd.f32 v11, v9;
	vm6 =	vmmov vm3;
	v8 =	vld.idx.msk [tilespmem:v8+s1+$0x0], $0xffff;
	v4 =	vmul.f32 v10, v4  }
0xdf: {  	vm7 =	vmmov vm2;
	vm0 =	vgt.s32 v12, $0xC34F;
	v9 =	vadd.s32 $0xFFFF3CB0, v12;
	v10 =	vld.idx.msk [tilespmem:v3+s1+$0x0], $0xffff  }
0xe0: {  	vm4 =	vgt.s32 v1, $0xC34F;
	v3 =	vadd.s32 $0xFFFF3CB0, v1;
	v11 =	vld [tilespmem:s0+$0xF390];
	v14 =	vadd.f32 v4, v2  }
0xe1: {  	vm3 =	vgt.s32 v5, $0xC34F;
	vm2 =	vgt.s32 v0, $0xC34F;
	v15 =	vadd.s32 $0xFFFF3CB0, v0;
	v16 =	vld.idx.msk [tilespmem:v6+s1+$0x0], $0xffff  }
0xe2: {  	v2 =	vadd.s32 $0xFFFF3CB0, v5;
	v6 =	vand.u32 $0xFFFF0000, v7;
	v7 =	vshll.u32 v7, $0x10;
	v4 =	vld [tilespmem:s0+$0xF3B0]  }
0xe3: {  	v3 =	vsel vm4, v3, v1;
	v17 =	vsel vm3, v2, v5;
	v1 =	vsel vm6, v6, v7;
	v18 =	vld [tilespmem:s0+$0xF3A0];
	s0 =	smov.u32 s2;
	s2 =	sshra.s32 s16, $0x2  }
.Ltmp4:
0xe4: {  	v5 =	vmul.f32 v1, v13;
	v6 =	vand.u32 $0xFFFF0000, v8;
	v7 =	vshll.u32 v8, $0x10;
	v2 =	vld [tilespmem:s2+$0xE3B0];
	(pc) =	sbr.rel @p1 .LBB2_5-.Ltmp4, $4  }
0xe5: {  	v8 =	vsel vm2, v15, v0;
	v6 =	vsel vm7, v6, v7;
	v7 =	vand.u32 $0xFFFF0000, v10;
	v1 =	vld [tilespmem:s2+$0xE3A0]  }
0xe6: {  	v10 =	vshll.u32 v10, $0x10;
	v13 =	vadd.f32 v5, v14;
	v11 =	vmul.f32 v6, v11;
	v0 =	vld [tilespmem:s2+$0xE390]  }
0xe7: {  	v6 =	vsel vm0, v9, v12;
	v12 =	vsel vm5, v7, v10;
	v10 =	vand.u32 $0xFFFF0000, v16;
	v5 =	vld [tilespmem:s2+$0xE380]  }
0xe8: {  	s16 =	sadd.s32 $0x100, s16;
	v9 =	vadd.f32 v11, v13;
	v7 =	vld.idx.msk [tilespmem:v17+s1+$0x0], $0xffff;
	v11 =	vmul.f32 v12, v18;
	v12 =	vshll.u32 v16, $0x10  }
.Ltmp5:
0xe9: {  	_ = 	snop;
	(pc) =	sbr.rel .LBB2_6-.Ltmp5, $1  }
0xea: {  	_ =	sdelay $0x3  }
.LBB2_8:
0xeb: {  	_ =	sfence.sel $0x180000  }
0xec: {  	[bflag:$0x0] =	sbarrier.arrive $0xFFFF  }
0xed: {  	_ =	strace $0x90000047  }
0xee: {  	s0 =	stileid.u32;
	[bflag:$0x2] =	sbarrier.arrive $0xFFFF  }
0xef: {  	p0 =	sne.s32 s0, $0x0;
	s0 =	rddreg [dreg:$0x2]  }
0xf0: {  	s0 =	sadd.s32 @!p0 $0x100000, s0  }
0xf1: {  	[sflag:s0] =	ssyncadd.tile.s32 @!p0 $0x1;
	_ =	shalt  }
.Lfunc_end2:
_tile_overlayer_lowered:
.L_overlay_start_2:
0xf2: {  	(tag) =	ssettag $0x2  }
0xf3: {  	s0 =	rddreg [dreg:$0x0];
	s2 =	stileid.u32  }
0xf4: {  	s1 =	rddreg [dreg:$0x1];
	p0 =	sne.s32 s2, $0x0  }
0xf5: {  	s3 =	rddreg [dreg:$0x2];
	[bflag:$0x3] =	sbarrier.arrive $0xFFFF;
	s2 =	simm.s32 @!p0 $0x1C03  }
0xf6: {  	[timem:s3], [sflag:s2] =	dma.local @!p0 [hbm:s0], s1  }
0xf7: {  	s0 =	simm.s32 @!p0 $0x3  }
0xf8: {  	_ =	swait.ge @!p0 [sflag:s0], s1  }
0xf9: {  	s1 =	ssub.s32 @!p0 $0x0, s1;
	[sflag:s0] =	ssyncset.done @!p0 $0x0  }
0xfa: {  	[sflag:s0] =	ssyncadd.s32 @!p0 s1  }
0xfb: {  	[bflag:$0x3] =	sbarrier.arrive $0xFFFF  }
0xfc: {  	_ =	shalt  }

</sc_bundles>
